<compile_context>
chip_gen: v7x
topology: tpu7x:2x2x1
jax: 0.10.2.dev20260603
libtpu: 0.0.44.dev20260713+nightly
codegen_flags: <defaults>
</compile_context>

<pallas_src>
import functools

import jax
import jax.numpy as jnp
from jax import lax
from jax.experimental import pallas as pl
from jax.experimental.pallas import tpu as pltpu
from jax.experimental.pallas import tpu_sc as plsc

_NUM_CORES = 2
_NUM_SUBCORES = 16
_NW = _NUM_CORES * _NUM_SUBCORES

_CHUNK = 256
_NBUF = 5


@functools.lru_cache(maxsize=None)
def _build_gather(B, V, D):
    assert B % _NW == 0
    b_per_w = B // _NW
    assert b_per_w % _CHUNK == 0
    n_chunks = b_per_w // _CHUNK
    assert n_chunks % _NBUF == 0

    mesh = plsc.VectorSubcoreMesh(
        core_axis_name="c",
        subcore_axis_name="s",
        num_cores=_NUM_CORES,
        num_subcores=_NUM_SUBCORES,
    )

    @functools.partial(
        pl.kernel,
        out_type=jax.ShapeDtypeStruct((B, D), jnp.float32),
        mesh=mesh,
        scratch_types=[
            pltpu.VMEM((b_per_w,), jnp.int32),
            pltpu.VMEM((_NBUF, _CHUNK, D), jnp.float32),
        ]
        + [pltpu.SemaphoreType.DMA] * _NBUF,
        compiler_params=pltpu.CompilerParams(use_tc_tiling_on_sc=False),
        name="emb_gather",
    )
    def emb_gather(table_hbm, idx_hbm, out_hbm, idx_v, rows_v, *sems):
        wid = lax.axis_index("s") * _NUM_CORES + lax.axis_index("c")
        base = wid * b_per_w

        pltpu.sync_copy(idx_hbm.at[pl.ds(base, b_per_w)], idx_v)

        def start(g, b):
            pltpu.async_copy(
                table_hbm.at[idx_v.at[pl.ds(g * _CHUNK, _CHUNK)]],
                rows_v.at[b],
                sems[b],
            )

        def wait(b):
            pltpu.make_async_copy(
                table_hbm.at[pl.ds(0, _CHUNK)], rows_v.at[b], sems[b]
            ).wait()

        def writeout(g, b):
            pltpu.sync_copy(
                rows_v.at[b], out_hbm.at[pl.ds(base + g * _CHUNK, _CHUNK)]
            )

        for b in range(_NBUF - 1):
            start(b, b)

        @pl.loop(0, n_chunks, step=_NBUF)
        def _(g):
            for b in range(_NBUF):
                nxt = g + b + _NBUF - 1

                @pl.when(nxt < n_chunks)
                def _():
                    start(nxt, (b + _NBUF - 1) % _NBUF)

                wait(b)
                writeout(g + b, b)

    return emb_gather


def kernel(inputs, embeddings):
    V, D = embeddings.shape
    B = inputs.shape[0] * inputs.shape[1]
    idx = inputs.reshape(-1).astype(jnp.int32)
    out = _build_gather(B, V, D)(embeddings, idx)
    return out.reshape(inputs.shape + (D,))

# --- scband reference (transcript-rebuilt; emitter-appended) ---
"""Pipeline reference for scband-embedding-76261439308161 (READ-ONLY COPY).

The authoritative reference and input builder live on the scoring server;
editing this copy changes nothing except your own understanding.
"""

import jax, jax.numpy as jnp
import numpy as np


def setup_inputs(seed: int = 0) -> dict:
    key = jax.random.key(seed)
    k_idx, k_emb = jax.random.split(key)
    inputs = jax.random.randint(k_idx, (4096, 50), 0, 1000000, dtype=jnp.int64)
    # Keras default 'uniform' initializer: U(-0.05, 0.05)
    embeddings = jax.random.uniform(
        k_emb, (1000000, 64), dtype=jnp.float32, minval=-0.05, maxval=0.05
    )
    return {"inputs": inputs, "embeddings": embeddings}


def reference(inputs, embeddings):
    # Faithful to keras Embedding.call: cast indices if needed, then take along axis 0
    if inputs.dtype not in (jnp.int32, jnp.int64):
        inputs = inputs.astype(jnp.int32)
    outputs = jnp.take(embeddings, inputs, axis=0)
    return outputs.astype(jnp.float32)

if __name__ == "__main__":
    import jax
    _d = setup_inputs()
    print(jax.jit(kernel)(*tuple(_d.values())))

</pallas_src>

<mosaic_0001>
#map = affine_map<(d0, d1) -> (0, 0)>
#map1 = affine_map<(d0, d1) -> (0)>
module attributes {stable_mosaic.version = 14 : i64} {
  func.func @emb_gather(%arg0: i32, %arg1: i32, %arg2: memref<1000000x64xf32, #tpu.memory_space<hbm>>, %arg3: memref<204800xi32, #tpu.memory_space<hbm>>, %arg4: memref<204800x64xf32, #tpu.memory_space<hbm>>, %arg5: memref<6400xi32, #tpu.memory_space<vmem>>, %arg6: memref<5x256x64xf32, #tpu.memory_space<vmem>>, %arg7: memref<!tpu.dma_semaphore, #tpu.memory_space<semaphore_mem>>, %arg8: memref<!tpu.dma_semaphore, #tpu.memory_space<semaphore_mem>>, %arg9: memref<!tpu.dma_semaphore, #tpu.memory_space<semaphore_mem>>, %arg10: memref<!tpu.dma_semaphore, #tpu.memory_space<semaphore_mem>>, %arg11: memref<!tpu.dma_semaphore, #tpu.memory_space<semaphore_mem>>) attributes {dimension_semantics = [#tpu.dimension_semantics<core_parallel>, #tpu.dimension_semantics<subcore_parallel>], iteration_bounds = array<i64: 2, 16>, scalar_prefetch = 0 : i64, scratch_operands = 7 : i64, tpu.core_type = #tpu.core_type<sc_vector_subcore>, window_params = [{transform_indices = #map}, {transform_indices = #map1}, {transform_indices = #map}]} {
    %mul3A = arith.constant 2 : i32
    %mul3A_0 = arith.muli %arg1, %mul3A : i32
    %add3A = arith.addi %mul3A_0, %arg0 : i32
    %mul3A_1 = arith.constant 6400 : i32
    %mul3A_2 = arith.muli %add3A, %mul3A_1 : i32
    "tpu.region"() ({
      %run_scoped3A = tpu.sem_alloc : memref<!tpu.dma_semaphore, #tpu.memory_space<semaphore_mem>>
      %dma_start3A_46 = tpu.memref_slice %arg3[%mul3A_2] : memref<204800xi32, #tpu.memory_space<hbm>> -> memref<6400xi32, #tpu.memory_space<hbm>>
      %dma_start3A_47 = tpu.memref_slice %arg3[%mul3A_2] : memref<204800xi32, #tpu.memory_space<hbm>> -> memref<6400xi32, #tpu.memory_space<hbm>>
      tpu.enqueue_dma source(%dma_start3A_47 : memref<6400xi32, #tpu.memory_space<hbm>>) target(%arg5 : memref<6400xi32, #tpu.memory_space<vmem>>) target_semaphore(%run_scoped3A : memref<!tpu.dma_semaphore, #tpu.memory_space<semaphore_mem>>)
      %dma_wait3A = tpu.memref_slice %arg3[%mul3A_2] : memref<204800xi32, #tpu.memory_space<hbm>> -> memref<6400xi32, #tpu.memory_space<hbm>>
      %dma_wait3A_48 = tpu.memref_slice %arg3[%mul3A_2] : memref<204800xi32, #tpu.memory_space<hbm>> -> memref<6400xi32, #tpu.memory_space<hbm>>
      tpu.wait_dma2 semaphore(%run_scoped3A : memref<!tpu.dma_semaphore, #tpu.memory_space<semaphore_mem>>) src(%dma_wait3A_48 : memref<6400xi32, #tpu.memory_space<hbm>>) dst(%arg5 : memref<6400xi32, #tpu.memory_space<vmem>>)
      tpu.yield
    }) : () -> ()
    %dma_start3A = arith.constant 0 : i32
    %dma_start3A_3 = arith.constant 0 : i32
    %dma_start3A_4 = arith.constant 0 : i32
    %dma_start3A_5 = tpu.memref_slice %arg6[%dma_start3A, %dma_start3A_3, %dma_start3A_4] : memref<5x256x64xf32, #tpu.memory_space<vmem>> -> memref<1x256x64xf32, #tpu.memory_space<vmem>>
    %dma_start3A_6 = tpu.memref_squeeze %dma_start3A_5 : memref<1x256x64xf32, #tpu.memory_space<vmem>> -> memref<256x64xf32, #tpu.memory_space<vmem>>
    %dma_start3A_7 = arith.constant 0 : i32
    %dma_start3A_8 = tpu.memref_slice %arg5[%dma_start3A_7] : memref<6400xi32, #tpu.memory_space<vmem>> -> memref<256xi32, #tpu.memory_space<vmem>>
    %dma_start3A_9 = arith.constant 0 : i32
    %dma_start3A_10 = arith.constant 0 : i32
    %dma_start3A_11 = tpu.memref_slice %arg2[%dma_start3A_9, %dma_start3A_10] : memref<1000000x64xf32, #tpu.memory_space<hbm>> -> memref<1000000x64xf32, #tpu.memory_space<hbm>>
    tpu.enqueue_indirect_dma source(%dma_start3A_11 : memref<1000000x64xf32, #tpu.memory_space<hbm>>) target(%dma_start3A_6 : memref<256x64xf32, #tpu.memory_space<vmem>>) offsets(%dma_start3A_8 : memref<256xi32, #tpu.memory_space<vmem>>) semaphore(%arg7 : memref<!tpu.dma_semaphore, #tpu.memory_space<semaphore_mem>>)
    %dma_start3A_12 = arith.constant 1 : i32
    %dma_start3A_13 = arith.constant 0 : i32
    %dma_start3A_14 = arith.constant 0 : i32
    %dma_start3A_15 = tpu.memref_slice %arg6[%dma_start3A_12, %dma_start3A_13, %dma_start3A_14] : memref<5x256x64xf32, #tpu.memory_space<vmem>> -> memref<1x256x64xf32, #tpu.memory_space<vmem>>
    %dma_start3A_16 = tpu.memref_squeeze %dma_start3A_15 : memref<1x256x64xf32, #tpu.memory_space<vmem>> -> memref<256x64xf32, #tpu.memory_space<vmem>>
    %dma_start3A_17 = arith.constant 256 : i32
    %dma_start3A_18 = tpu.memref_slice %arg5[%dma_start3A_17] : memref<6400xi32, #tpu.memory_space<vmem>> -> memref<256xi32, #tpu.memory_space<vmem>>
    %dma_start3A_19 = arith.constant 0 : i32
    %dma_start3A_20 = arith.constant 0 : i32
    %dma_start3A_21 = tpu.memref_slice %arg2[%dma_start3A_19, %dma_start3A_20] : memref<1000000x64xf32, #tpu.memory_space<hbm>> -> memref<1000000x64xf32, #tpu.memory_space<hbm>>
    tpu.enqueue_indirect_dma source(%dma_start3A_21 : memref<1000000x64xf32, #tpu.memory_space<hbm>>) target(%dma_start3A_16 : memref<256x64xf32, #tpu.memory_space<vmem>>) offsets(%dma_start3A_18 : memref<256xi32, #tpu.memory_space<vmem>>) semaphore(%arg8 : memref<!tpu.dma_semaphore, #tpu.memory_space<semaphore_mem>>)
    %dma_start3A_22 = arith.constant 2 : i32
    %dma_start3A_23 = arith.constant 0 : i32
    %dma_start3A_24 = arith.constant 0 : i32
    %dma_start3A_25 = tpu.memref_slice %arg6[%dma_start3A_22, %dma_start3A_23, %dma_start3A_24] : memref<5x256x64xf32, #tpu.memory_space<vmem>> -> memref<1x256x64xf32, #tpu.memory_space<vmem>>
    %dma_start3A_26 = tpu.memref_squeeze %dma_start3A_25 : memref<1x256x64xf32, #tpu.memory_space<vmem>> -> memref<256x64xf32, #tpu.memory_space<vmem>>
    %dma_start3A_27 = arith.constant 512 : i32
    %dma_start3A_28 = tpu.memref_slice %arg5[%dma_start3A_27] : memref<6400xi32, #tpu.memory_space<vmem>> -> memref<256xi32, #tpu.memory_space<vmem>>
    %dma_start3A_29 = arith.constant 0 : i32
    %dma_start3A_30 = arith.constant 0 : i32
    %dma_start3A_31 = tpu.memref_slice %arg2[%dma_start3A_29, %dma_start3A_30] : memref<1000000x64xf32, #tpu.memory_space<hbm>> -> memref<1000000x64xf32, #tpu.memory_space<hbm>>
    tpu.enqueue_indirect_dma source(%dma_start3A_31 : memref<1000000x64xf32, #tpu.memory_space<hbm>>) target(%dma_start3A_26 : memref<256x64xf32, #tpu.memory_space<vmem>>) offsets(%dma_start3A_28 : memref<256xi32, #tpu.memory_space<vmem>>) semaphore(%arg9 : memref<!tpu.dma_semaphore, #tpu.memory_space<semaphore_mem>>)
    %dma_start3A_32 = arith.constant 3 : i32
    %dma_start3A_33 = arith.constant 0 : i32
    %dma_start3A_34 = arith.constant 0 : i32
    %dma_start3A_35 = tpu.memref_slice %arg6[%dma_start3A_32, %dma_start3A_33, %dma_start3A_34] : memref<5x256x64xf32, #tpu.memory_space<vmem>> -> memref<1x256x64xf32, #tpu.memory_space<vmem>>
    %dma_start3A_36 = tpu.memref_squeeze %dma_start3A_35 : memref<1x256x64xf32, #tpu.memory_space<vmem>> -> memref<256x64xf32, #tpu.memory_space<vmem>>
    %dma_start3A_37 = arith.constant 768 : i32
    %dma_start3A_38 = tpu.memref_slice %arg5[%dma_start3A_37] : memref<6400xi32, #tpu.memory_space<vmem>> -> memref<256xi32, #tpu.memory_space<vmem>>
    %dma_start3A_39 = arith.constant 0 : i32
    %dma_start3A_40 = arith.constant 0 : i32
    %dma_start3A_41 = tpu.memref_slice %arg2[%dma_start3A_39, %dma_start3A_40] : memref<1000000x64xf32, #tpu.memory_space<hbm>> -> memref<1000000x64xf32, #tpu.memory_space<hbm>>
    tpu.enqueue_indirect_dma source(%dma_start3A_41 : memref<1000000x64xf32, #tpu.memory_space<hbm>>) target(%dma_start3A_36 : memref<256x64xf32, #tpu.memory_space<vmem>>) offsets(%dma_start3A_38 : memref<256xi32, #tpu.memory_space<vmem>>) semaphore(%arg10 : memref<!tpu.dma_semaphore, #tpu.memory_space<semaphore_mem>>)
    %scan3A = arith.constant 0 : i32
    %scan3A_42 = arith.constant 5 : i32
    %scan3A_43 = arith.addi %scan3A, %scan3A_42 : i32
    %scan3A_44 = arith.constant 1 : i32
    scf.for %scan3A_46 = %scan3A to %scan3A_43 step %scan3A_44  : i32 {
      %mul3A_47 = arith.constant 5 : i32
      %mul3A_48 = arith.muli %scan3A_46, %mul3A_47 : i32
      %add3A_49 = arith.constant 0 : i32
      %add3A_50 = arith.addi %add3A_49, %mul3A_48 : i32
      %add3A_51 = arith.constant 0 : i32
      %add3A_52 = arith.addi %add3A_50, %add3A_51 : i32
      %add3A_53 = arith.constant 5 : i32
      %add3A_54 = arith.addi %add3A_52, %add3A_53 : i32
      %sub3A = arith.constant 1 : i32
      %sub3A_55 = arith.subi %add3A_54, %sub3A : i32
      %lt3A = arith.constant 25 : i32
      %lt3A_56 = arith.cmpi slt, %sub3A_55, %lt3A : i32
      %convert_element_type3A = arith.extui %lt3A_56 : i1 to i32
      %cond3A = arith.constant 0 : i32
      %cond3A_57 = arith.cmpi ne, %convert_element_type3A, %cond3A : i32
      scf.if %cond3A_57 {
        %mul3A_205 = arith.constant 256 : i32
        %mul3A_206 = arith.muli %sub3A_55, %mul3A_205 : i32
        %dma_start3A_207 = arith.constant 4 : i32
        %dma_start3A_208 = arith.constant 0 : i32
        %dma_start3A_209 = arith.constant 0 : i32
        %dma_start3A_210 = tpu.memref_slice %arg6[%dma_start3A_207, %dma_start3A_208, %dma_start3A_209] : memref<5x256x64xf32, #tpu.memory_space<vmem>> -> memref<1x256x64xf32, #tpu.memory_space<vmem>>
        %dma_start3A_211 = tpu.memref_squeeze %dma_start3A_210 : memref<1x256x64xf32, #tpu.memory_space<vmem>> -> memref<256x64xf32, #tpu.memory_space<vmem>>
        %dma_start3A_212 = tpu.memref_slice %arg5[%mul3A_206] : memref<6400xi32, #tpu.memory_space<vmem>> -> memref<256xi32, #tpu.memory_space<vmem>>
        %dma_start3A_213 = arith.constant 0 : i32
        %dma_start3A_214 = arith.constant 0 : i32
        %dma_start3A_215 = tpu.memref_slice %arg2[%dma_start3A_213, %dma_start3A_214] : memref<1000000x64xf32, #tpu.memory_space<hbm>> -> memref<1000000x64xf32, #tpu.memory_space<hbm>>
        tpu.enqueue_indirect_dma source(%dma_start3A_215 : memref<1000000x64xf32, #tpu.memory_space<hbm>>) target(%dma_start3A_211 : memref<256x64xf32, #tpu.memory_space<vmem>>) offsets(%dma_start3A_212 : memref<256xi32, #tpu.memory_space<vmem>>) semaphore(%arg11 : memref<!tpu.dma_semaphore, #tpu.memory_space<semaphore_mem>>)
      } else {
      }
      %dma_wait3A = arith.constant 0 : i32
      %dma_wait3A_58 = arith.constant 0 : i32
      %dma_wait3A_59 = arith.constant 0 : i32
      %dma_wait3A_60 = tpu.memref_slice %arg6[%dma_wait3A, %dma_wait3A_58, %dma_wait3A_59] : memref<5x256x64xf32, #tpu.memory_space<vmem>> -> memref<1x256x64xf32, #tpu.memory_space<vmem>>
      %dma_wait3A_61 = tpu.memref_squeeze %dma_wait3A_60 : memref<1x256x64xf32, #tpu.memory_space<vmem>> -> memref<256x64xf32, #tpu.memory_space<vmem>>
      %dma_wait3A_62 = arith.constant 0 : i32
      %dma_wait3A_63 = arith.constant 0 : i32
      %dma_wait3A_64 = tpu.memref_slice %arg2[%dma_wait3A_62, %dma_wait3A_63] : memref<1000000x64xf32, #tpu.memory_space<hbm>> -> memref<256x64xf32, #tpu.memory_space<hbm>>
      %dma_wait3A_65 = arith.constant 0 : i32
      %dma_wait3A_66 = arith.constant 0 : i32
      %dma_wait3A_67 = tpu.memref_slice %arg6[%dma_wait3A, %dma_wait3A_65, %dma_wait3A_66] : memref<5x256x64xf32, #tpu.memory_space<vmem>> -> memref<1x256x64xf32, #tpu.memory_space<vmem>>
      %dma_wait3A_68 = tpu.memref_squeeze %dma_wait3A_67 : memref<1x256x64xf32, #tpu.memory_space<vmem>> -> memref<256x64xf32, #tpu.memory_space<vmem>>
      %dma_wait3A_69 = arith.constant 0 : i32
      %dma_wait3A_70 = arith.constant 0 : i32
      %dma_wait3A_71 = tpu.memref_slice %arg2[%dma_wait3A_69, %dma_wait3A_70] : memref<1000000x64xf32, #tpu.memory_space<hbm>> -> memref<256x64xf32, #tpu.memory_space<hbm>>
      tpu.wait_dma2 semaphore(%arg7 : memref<!tpu.dma_semaphore, #tpu.memory_space<semaphore_mem>>) src(%dma_wait3A_71 : memref<256x64xf32, #tpu.memory_space<hbm>>) dst(%dma_wait3A_68 : memref<256x64xf32, #tpu.memory_space<vmem>>)
      %add3A_72 = arith.constant 0 : i32
      %add3A_73 = arith.addi %add3A_50, %add3A_72 : i32
      %mul3A_74 = arith.constant 256 : i32
      %mul3A_75 = arith.muli %add3A_73, %mul3A_74 : i32
      %add3A_76 = arith.addi %mul3A_2, %mul3A_75 : i32
      %run_scoped3A = arith.constant 0 : i32
      "tpu.region"() ({
        %run_scoped3A_205 = tpu.sem_alloc : memref<!tpu.dma_semaphore, #tpu.memory_space<semaphore_mem>>
        %dma_start3A_206 = arith.constant 0 : i32
        %dma_start3A_207 = arith.constant 0 : i32
        %dma_start3A_208 = tpu.memref_slice %arg6[%run_scoped3A, %dma_start3A_206, %dma_start3A_207] : memref<5x256x64xf32, #tpu.memory_space<vmem>> -> memref<1x256x64xf32, #tpu.memory_space<vmem>>
        %dma_start3A_209 = tpu.memref_squeeze %dma_start3A_208 : memref<1x256x64xf32, #tpu.memory_space<vmem>> -> memref<256x64xf32, #tpu.memory_space<vmem>>
        %dma_start3A_210 = arith.constant 0 : i32
        %dma_start3A_211 = tpu.memref_slice %arg4[%add3A_76, %dma_start3A_210] : memref<204800x64xf32, #tpu.memory_space<hbm>> -> memref<256x64xf32, #tpu.memory_space<hbm>>
        %dma_start3A_212 = arith.constant 0 : i32
        %dma_start3A_213 = tpu.memref_slice %arg4[%add3A_76, %dma_start3A_212] : memref<204800x64xf32, #tpu.memory_space<hbm>> -> memref<256x64xf32, #tpu.memory_space<hbm>>
        %dma_start3A_214 = arith.constant 0 : i32
        %dma_start3A_215 = arith.constant 0 : i32
        %dma_start3A_216 = tpu.memref_slice %arg6[%run_scoped3A, %dma_start3A_214, %dma_start3A_215] : memref<5x256x64xf32, #tpu.memory_space<vmem>> -> memref<1x256x64xf32, #tpu.memory_space<vmem>>
        %dma_start3A_217 = tpu.memref_squeeze %dma_start3A_216 : memref<1x256x64xf32, #tpu.memory_space<vmem>> -> memref<256x64xf32, #tpu.memory_space<vmem>>
        tpu.enqueue_dma source(%dma_start3A_217 : memref<256x64xf32, #tpu.memory_space<vmem>>) target(%dma_start3A_213 : memref<256x64xf32, #tpu.memory_space<hbm>>) target_semaphore(%run_scoped3A_205 : memref<!tpu.dma_semaphore, #tpu.memory_space<semaphore_mem>>)
        %dma_wait3A_218 = arith.constant 0 : i32
        %dma_wait3A_219 = arith.constant 0 : i32
        %dma_wait3A_220 = tpu.memref_slice %arg6[%run_scoped3A, %dma_wait3A_218, %dma_wait3A_219] : memref<5x256x64xf32, #tpu.memory_space<vmem>> -> memref<1x256x64xf32, #tpu.memory_space<vmem>>
        %dma_wait3A_221 = tpu.memref_squeeze %dma_wait3A_220 : memref<1x256x64xf32, #tpu.memory_space<vmem>> -> memref<256x64xf32, #tpu.memory_space<vmem>>
        %dma_wait3A_222 = arith.constant 0 : i32
        %dma_wait3A_223 = tpu.memref_slice %arg4[%add3A_76, %dma_wait3A_222] : memref<204800x64xf32, #tpu.memory_space<hbm>> -> memref<256x64xf32, #tpu.memory_space<hbm>>
        %dma_wait3A_224 = arith.constant 0 : i32
        %dma_wait3A_225 = tpu.memref_slice %arg4[%add3A_76, %dma_wait3A_224] : memref<204800x64xf32, #tpu.memory_space<hbm>> -> memref<256x64xf32, #tpu.memory_space<hbm>>
        %dma_wait3A_226 = arith.constant 0 : i32
        %dma_wait3A_227 = arith.constant 0 : i32
        %dma_wait3A_228 = tpu.memref_slice %arg6[%run_scoped3A, %dma_wait3A_226, %dma_wait3A_227] : memref<5x256x64xf32, #tpu.memory_space<vmem>> -> memref<1x256x64xf32, #tpu.memory_space<vmem>>
        %dma_wait3A_229 = tpu.memref_squeeze %dma_wait3A_228 : memref<1x256x64xf32, #tpu.memory_space<vmem>> -> memref<256x64xf32, #tpu.memory_space<vmem>>
        tpu.wait_dma2 semaphore(%run_scoped3A_205 : memref<!tpu.dma_semaphore, #tpu.memory_space<semaphore_mem>>) src(%dma_wait3A_229 : memref<256x64xf32, #tpu.memory_space<vmem>>) dst(%dma_wait3A_225 : memref<256x64xf32, #tpu.memory_space<hbm>>)
        tpu.yield
      }) : () -> ()
      %add3A_77 = arith.constant 1 : i32
      %add3A_78 = arith.addi %add3A_50, %add3A_77 : i32
      %add3A_79 = arith.constant 5 : i32
      %add3A_80 = arith.addi %add3A_78, %add3A_79 : i32
      %sub3A_81 = arith.constant 1 : i32
      %sub3A_82 = arith.subi %add3A_80, %sub3A_81 : i32
      %lt3A_83 = arith.constant 25 : i32
      %lt3A_84 = arith.cmpi slt, %sub3A_82, %lt3A_83 : i32
      %convert_element_type3A_85 = arith.extui %lt3A_84 : i1 to i32
      %cond3A_86 = arith.constant 0 : i32
      %cond3A_87 = arith.cmpi ne, %convert_element_type3A_85, %cond3A_86 : i32
      scf.if %cond3A_87 {
        %mul3A_205 = arith.constant 256 : i32
        %mul3A_206 = arith.muli %sub3A_82, %mul3A_205 : i32
        %dma_start3A_207 = arith.constant 0 : i32
        %dma_start3A_208 = arith.constant 0 : i32
        %dma_start3A_209 = arith.constant 0 : i32
        %dma_start3A_210 = tpu.memref_slice %arg6[%dma_start3A_207, %dma_start3A_208, %dma_start3A_209] : memref<5x256x64xf32, #tpu.memory_space<vmem>> -> memref<1x256x64xf32, #tpu.memory_space<vmem>>
        %dma_start3A_211 = tpu.memref_squeeze %dma_start3A_210 : memref<1x256x64xf32, #tpu.memory_space<vmem>> -> memref<256x64xf32, #tpu.memory_space<vmem>>
        %dma_start3A_212 = tpu.memref_slice %arg5[%mul3A_206] : memref<6400xi32, #tpu.memory_space<vmem>> -> memref<256xi32, #tpu.memory_space<vmem>>
        %dma_start3A_213 = arith.constant 0 : i32
        %dma_start3A_214 = arith.constant 0 : i32
        %dma_start3A_215 = tpu.memref_slice %arg2[%dma_start3A_213, %dma_start3A_214] : memref<1000000x64xf32, #tpu.memory_space<hbm>> -> memref<1000000x64xf32, #tpu.memory_space<hbm>>
        tpu.enqueue_indirect_dma source(%dma_start3A_215 : memref<1000000x64xf32, #tpu.memory_space<hbm>>) target(%dma_start3A_211 : memref<256x64xf32, #tpu.memory_space<vmem>>) offsets(%dma_start3A_212 : memref<256xi32, #tpu.memory_space<vmem>>) semaphore(%arg7 : memref<!tpu.dma_semaphore, #tpu.memory_space<semaphore_mem>>)
      } else {
      }
      %dma_wait3A_88 = arith.constant 1 : i32
      %dma_wait3A_89 = arith.constant 0 : i32
      %dma_wait3A_90 = arith.constant 0 : i32
      %dma_wait3A_91 = tpu.memref_slice %arg6[%dma_wait3A_88, %dma_wait3A_89, %dma_wait3A_90] : memref<5x256x64xf32, #tpu.memory_space<vmem>> -> memref<1x256x64xf32, #tpu.memory_space<vmem>>
      %dma_wait3A_92 = tpu.memref_squeeze %dma_wait3A_91 : memref<1x256x64xf32, #tpu.memory_space<vmem>> -> memref<256x64xf32, #tpu.memory_space<vmem>>
      %dma_wait3A_93 = arith.constant 0 : i32
      %dma_wait3A_94 = arith.constant 0 : i32
      %dma_wait3A_95 = tpu.memref_slice %arg2[%dma_wait3A_93, %dma_wait3A_94] : memref<1000000x64xf32, #tpu.memory_space<hbm>> -> memref<256x64xf32, #tpu.memory_space<hbm>>
      %dma_wait3A_96 = arith.constant 0 : i32
      %dma_wait3A_97 = arith.constant 0 : i32
      %dma_wait3A_98 = tpu.memref_slice %arg6[%dma_wait3A_88, %dma_wait3A_96, %dma_wait3A_97] : memref<5x256x64xf32, #tpu.memory_space<vmem>> -> memref<1x256x64xf32, #tpu.memory_space<vmem>>
      %dma_wait3A_99 = tpu.memref_squeeze %dma_wait3A_98 : memref<1x256x64xf32, #tpu.memory_space<vmem>> -> memref<256x64xf32, #tpu.memory_space<vmem>>
      %dma_wait3A_100 = arith.constant 0 : i32
      %dma_wait3A_101 = arith.constant 0 : i32
      %dma_wait3A_102 = tpu.memref_slice %arg2[%dma_wait3A_100, %dma_wait3A_101] : memref<1000000x64xf32, #tpu.memory_space<hbm>> -> memref<256x64xf32, #tpu.memory_space<hbm>>
      tpu.wait_dma2 semaphore(%arg8 : memref<!tpu.dma_semaphore, #tpu.memory_space<semaphore_mem>>) src(%dma_wait3A_102 : memref<256x64xf32, #tpu.memory_space<hbm>>) dst(%dma_wait3A_99 : memref<256x64xf32, #tpu.memory_space<vmem>>)
      %add3A_103 = arith.constant 1 : i32
      %add3A_104 = arith.addi %add3A_50, %add3A_103 : i32
      %mul3A_105 = arith.constant 256 : i32
      %mul3A_106 = arith.muli %add3A_104, %mul3A_105 : i32
      %add3A_107 = arith.addi %mul3A_2, %mul3A_106 : i32
      %run_scoped3A_108 = arith.constant 1 : i32
      "tpu.region"() ({
        %run_scoped3A_205 = tpu.sem_alloc : memref<!tpu.dma_semaphore, #tpu.memory_space<semaphore_mem>>
        %dma_start3A_206 = arith.constant 0 : i32
        %dma_start3A_207 = arith.constant 0 : i32
        %dma_start3A_208 = tpu.memref_slice %arg6[%run_scoped3A_108, %dma_start3A_206, %dma_start3A_207] : memref<5x256x64xf32, #tpu.memory_space<vmem>> -> memref<1x256x64xf32, #tpu.memory_space<vmem>>
        %dma_start3A_209 = tpu.memref_squeeze %dma_start3A_208 : memref<1x256x64xf32, #tpu.memory_space<vmem>> -> memref<256x64xf32, #tpu.memory_space<vmem>>
        %dma_start3A_210 = arith.constant 0 : i32
        %dma_start3A_211 = tpu.memref_slice %arg4[%add3A_107, %dma_start3A_210] : memref<204800x64xf32, #tpu.memory_space<hbm>> -> memref<256x64xf32, #tpu.memory_space<hbm>>
        %dma_start3A_212 = arith.constant 0 : i32
        %dma_start3A_213 = tpu.memref_slice %arg4[%add3A_107, %dma_start3A_212] : memref<204800x64xf32, #tpu.memory_space<hbm>> -> memref<256x64xf32, #tpu.memory_space<hbm>>
        %dma_start3A_214 = arith.constant 0 : i32
        %dma_start3A_215 = arith.constant 0 : i32
        %dma_start3A_216 = tpu.memref_slice %arg6[%run_scoped3A_108, %dma_start3A_214, %dma_start3A_215] : memref<5x256x64xf32, #tpu.memory_space<vmem>> -> memref<1x256x64xf32, #tpu.memory_space<vmem>>
        %dma_start3A_217 = tpu.memref_squeeze %dma_start3A_216 : memref<1x256x64xf32, #tpu.memory_space<vmem>> -> memref<256x64xf32, #tpu.memory_space<vmem>>
        tpu.enqueue_dma source(%dma_start3A_217 : memref<256x64xf32, #tpu.memory_space<vmem>>) target(%dma_start3A_213 : memref<256x64xf32, #tpu.memory_space<hbm>>) target_semaphore(%run_scoped3A_205 : memref<!tpu.dma_semaphore, #tpu.memory_space<semaphore_mem>>)
        %dma_wait3A_218 = arith.constant 0 : i32
        %dma_wait3A_219 = arith.constant 0 : i32
        %dma_wait3A_220 = tpu.memref_slice %arg6[%run_scoped3A_108, %dma_wait3A_218, %dma_wait3A_219] : memref<5x256x64xf32, #tpu.memory_space<vmem>> -> memref<1x256x64xf32, #tpu.memory_space<vmem>>
        %dma_wait3A_221 = tpu.memref_squeeze %dma_wait3A_220 : memref<1x256x64xf32, #tpu.memory_space<vmem>> -> memref<256x64xf32, #tpu.memory_space<vmem>>
        %dma_wait3A_222 = arith.constant 0 : i32
        %dma_wait3A_223 = tpu.memref_slice %arg4[%add3A_107, %dma_wait3A_222] : memref<204800x64xf32, #tpu.memory_space<hbm>> -> memref<256x64xf32, #tpu.memory_space<hbm>>
        %dma_wait3A_224 = arith.constant 0 : i32
        %dma_wait3A_225 = tpu.memref_slice %arg4[%add3A_107, %dma_wait3A_224] : memref<204800x64xf32, #tpu.memory_space<hbm>> -> memref<256x64xf32, #tpu.memory_space<hbm>>
        %dma_wait3A_226 = arith.constant 0 : i32
        %dma_wait3A_227 = arith.constant 0 : i32
        %dma_wait3A_228 = tpu.memref_slice %arg6[%run_scoped3A_108, %dma_wait3A_226, %dma_wait3A_227] : memref<5x256x64xf32, #tpu.memory_space<vmem>> -> memref<1x256x64xf32, #tpu.memory_space<vmem>>
        %dma_wait3A_229 = tpu.memref_squeeze %dma_wait3A_228 : memref<1x256x64xf32, #tpu.memory_space<vmem>> -> memref<256x64xf32, #tpu.memory_space<vmem>>
        tpu.wait_dma2 semaphore(%run_scoped3A_205 : memref<!tpu.dma_semaphore, #tpu.memory_space<semaphore_mem>>) src(%dma_wait3A_229 : memref<256x64xf32, #tpu.memory_space<vmem>>) dst(%dma_wait3A_225 : memref<256x64xf32, #tpu.memory_space<hbm>>)
        tpu.yield
      }) : () -> ()
      %add3A_109 = arith.constant 2 : i32
      %add3A_110 = arith.addi %add3A_50, %add3A_109 : i32
      %add3A_111 = arith.constant 5 : i32
      %add3A_112 = arith.addi %add3A_110, %add3A_111 : i32
      %sub3A_113 = arith.constant 1 : i32
      %sub3A_114 = arith.subi %add3A_112, %sub3A_113 : i32
      %lt3A_115 = arith.constant 25 : i32
      %lt3A_116 = arith.cmpi slt, %sub3A_114, %lt3A_115 : i32
      %convert_element_type3A_117 = arith.extui %lt3A_116 : i1 to i32
      %cond3A_118 = arith.constant 0 : i32
      %cond3A_119 = arith.cmpi ne, %convert_element_type3A_117, %cond3A_118 : i32
      scf.if %cond3A_119 {
        %mul3A_205 = arith.constant 256 : i32
        %mul3A_206 = arith.muli %sub3A_114, %mul3A_205 : i32
        %dma_start3A_207 = arith.constant 1 : i32
        %dma_start3A_208 = arith.constant 0 : i32
        %dma_start3A_209 = arith.constant 0 : i32
        %dma_start3A_210 = tpu.memref_slice %arg6[%dma_start3A_207, %dma_start3A_208, %dma_start3A_209] : memref<5x256x64xf32, #tpu.memory_space<vmem>> -> memref<1x256x64xf32, #tpu.memory_space<vmem>>
        %dma_start3A_211 = tpu.memref_squeeze %dma_start3A_210 : memref<1x256x64xf32, #tpu.memory_space<vmem>> -> memref<256x64xf32, #tpu.memory_space<vmem>>
        %dma_start3A_212 = tpu.memref_slice %arg5[%mul3A_206] : memref<6400xi32, #tpu.memory_space<vmem>> -> memref<256xi32, #tpu.memory_space<vmem>>
        %dma_start3A_213 = arith.constant 0 : i32
        %dma_start3A_214 = arith.constant 0 : i32
        %dma_start3A_215 = tpu.memref_slice %arg2[%dma_start3A_213, %dma_start3A_214] : memref<1000000x64xf32, #tpu.memory_space<hbm>> -> memref<1000000x64xf32, #tpu.memory_space<hbm>>
        tpu.enqueue_indirect_dma source(%dma_start3A_215 : memref<1000000x64xf32, #tpu.memory_space<hbm>>) target(%dma_start3A_211 : memref<256x64xf32, #tpu.memory_space<vmem>>) offsets(%dma_start3A_212 : memref<256xi32, #tpu.memory_space<vmem>>) semaphore(%arg8 : memref<!tpu.dma_semaphore, #tpu.memory_space<semaphore_mem>>)
      } else {
      }
      %dma_wait3A_120 = arith.constant 2 : i32
      %dma_wait3A_121 = arith.constant 0 : i32
      %dma_wait3A_122 = arith.constant 0 : i32
      %dma_wait3A_123 = tpu.memref_slice %arg6[%dma_wait3A_120, %dma_wait3A_121, %dma_wait3A_122] : memref<5x256x64xf32, #tpu.memory_space<vmem>> -> memref<1x256x64xf32, #tpu.memory_space<vmem>>
      %dma_wait3A_124 = tpu.memref_squeeze %dma_wait3A_123 : memref<1x256x64xf32, #tpu.memory_space<vmem>> -> memref<256x64xf32, #tpu.memory_space<vmem>>
      %dma_wait3A_125 = arith.constant 0 : i32
      %dma_wait3A_126 = arith.constant 0 : i32
      %dma_wait3A_127 = tpu.memref_slice %arg2[%dma_wait3A_125, %dma_wait3A_126] : memref<1000000x64xf32, #tpu.memory_space<hbm>> -> memref<256x64xf32, #tpu.memory_space<hbm>>
      %dma_wait3A_128 = arith.constant 0 : i32
      %dma_wait3A_129 = arith.constant 0 : i32
      %dma_wait3A_130 = tpu.memref_slice %arg6[%dma_wait3A_120, %dma_wait3A_128, %dma_wait3A_129] : memref<5x256x64xf32, #tpu.memory_space<vmem>> -> memref<1x256x64xf32, #tpu.memory_space<vmem>>
      %dma_wait3A_131 = tpu.memref_squeeze %dma_wait3A_130 : memref<1x256x64xf32, #tpu.memory_space<vmem>> -> memref<256x64xf32, #tpu.memory_space<vmem>>
      %dma_wait3A_132 = arith.constant 0 : i32
      %dma_wait3A_133 = arith.constant 0 : i32
      %dma_wait3A_134 = tpu.memref_slice %arg2[%dma_wait3A_132, %dma_wait3A_133] : memref<1000000x64xf32, #tpu.memory_space<hbm>> -> memref<256x64xf32, #tpu.memory_space<hbm>>
      tpu.wait_dma2 semaphore(%arg9 : memref<!tpu.dma_semaphore, #tpu.memory_space<semaphore_mem>>) src(%dma_wait3A_134 : memref<256x64xf32, #tpu.memory_space<hbm>>) dst(%dma_wait3A_131 : memref<256x64xf32, #tpu.memory_space<vmem>>)
      %add3A_135 = arith.constant 2 : i32
      %add3A_136 = arith.addi %add3A_50, %add3A_135 : i32
      %mul3A_137 = arith.constant 256 : i32
      %mul3A_138 = arith.muli %add3A_136, %mul3A_137 : i32
      %add3A_139 = arith.addi %mul3A_2, %mul3A_138 : i32
      %run_scoped3A_140 = arith.constant 2 : i32
      "tpu.region"() ({
        %run_scoped3A_205 = tpu.sem_alloc : memref<!tpu.dma_semaphore, #tpu.memory_space<semaphore_mem>>
        %dma_start3A_206 = arith.constant 0 : i32
        %dma_start3A_207 = arith.constant 0 : i32
        %dma_start3A_208 = tpu.memref_slice %arg6[%run_scoped3A_140, %dma_start3A_206, %dma_start3A_207] : memref<5x256x64xf32, #tpu.memory_space<vmem>> -> memref<1x256x64xf32, #tpu.memory_space<vmem>>
        %dma_start3A_209 = tpu.memref_squeeze %dma_start3A_208 : memref<1x256x64xf32, #tpu.memory_space<vmem>> -> memref<256x64xf32, #tpu.memory_space<vmem>>
        %dma_start3A_210 = arith.constant 0 : i32
        %dma_start3A_211 = tpu.memref_slice %arg4[%add3A_139, %dma_start3A_210] : memref<204800x64xf32, #tpu.memory_space<hbm>> -> memref<256x64xf32, #tpu.memory_space<hbm>>
        %dma_start3A_212 = arith.constant 0 : i32
        %dma_start3A_213 = tpu.memref_slice %arg4[%add3A_139, %dma_start3A_212] : memref<204800x64xf32, #tpu.memory_space<hbm>> -> memref<256x64xf32, #tpu.memory_space<hbm>>
        %dma_start3A_214 = arith.constant 0 : i32
        %dma_start3A_215 = arith.constant 0 : i32
        %dma_start3A_216 = tpu.memref_slice %arg6[%run_scoped3A_140, %dma_start3A_214, %dma_start3A_215] : memref<5x256x64xf32, #tpu.memory_space<vmem>> -> memref<1x256x64xf32, #tpu.memory_space<vmem>>
        %dma_start3A_217 = tpu.memref_squeeze %dma_start3A_216 : memref<1x256x64xf32, #tpu.memory_space<vmem>> -> memref<256x64xf32, #tpu.memory_space<vmem>>
        tpu.enqueue_dma source(%dma_start3A_217 : memref<256x64xf32, #tpu.memory_space<vmem>>) target(%dma_start3A_213 : memref<256x64xf32, #tpu.memory_space<hbm>>) target_semaphore(%run_scoped3A_205 : memref<!tpu.dma_semaphore, #tpu.memory_space<semaphore_mem>>)
        %dma_wait3A_218 = arith.constant 0 : i32
        %dma_wait3A_219 = arith.constant 0 : i32
        %dma_wait3A_220 = tpu.memref_slice %arg6[%run_scoped3A_140, %dma_wait3A_218, %dma_wait3A_219] : memref<5x256x64xf32, #tpu.memory_space<vmem>> -> memref<1x256x64xf32, #tpu.memory_space<vmem>>
        %dma_wait3A_221 = tpu.memref_squeeze %dma_wait3A_220 : memref<1x256x64xf32, #tpu.memory_space<vmem>> -> memref<256x64xf32, #tpu.memory_space<vmem>>
        %dma_wait3A_222 = arith.constant 0 : i32
        %dma_wait3A_223 = tpu.memref_slice %arg4[%add3A_139, %dma_wait3A_222] : memref<204800x64xf32, #tpu.memory_space<hbm>> -> memref<256x64xf32, #tpu.memory_space<hbm>>
        %dma_wait3A_224 = arith.constant 0 : i32
        %dma_wait3A_225 = tpu.memref_slice %arg4[%add3A_139, %dma_wait3A_224] : memref<204800x64xf32, #tpu.memory_space<hbm>> -> memref<256x64xf32, #tpu.memory_space<hbm>>
        %dma_wait3A_226 = arith.constant 0 : i32
        %dma_wait3A_227 = arith.constant 0 : i32
        %dma_wait3A_228 = tpu.memref_slice %arg6[%run_scoped3A_140, %dma_wait3A_226, %dma_wait3A_227] : memref<5x256x64xf32, #tpu.memory_space<vmem>> -> memref<1x256x64xf32, #tpu.memory_space<vmem>>
        %dma_wait3A_229 = tpu.memref_squeeze %dma_wait3A_228 : memref<1x256x64xf32, #tpu.memory_space<vmem>> -> memref<256x64xf32, #tpu.memory_space<vmem>>
        tpu.wait_dma2 semaphore(%run_scoped3A_205 : memref<!tpu.dma_semaphore, #tpu.memory_space<semaphore_mem>>) src(%dma_wait3A_229 : memref<256x64xf32, #tpu.memory_space<vmem>>) dst(%dma_wait3A_225 : memref<256x64xf32, #tpu.memory_space<hbm>>)
        tpu.yield
      }) : () -> ()
      %add3A_141 = arith.constant 3 : i32
      %add3A_142 = arith.addi %add3A_50, %add3A_141 : i32
      %add3A_143 = arith.constant 5 : i32
      %add3A_144 = arith.addi %add3A_142, %add3A_143 : i32
      %sub3A_145 = arith.constant 1 : i32
      %sub3A_146 = arith.subi %add3A_144, %sub3A_145 : i32
      %lt3A_147 = arith.constant 25 : i32
      %lt3A_148 = arith.cmpi slt, %sub3A_146, %lt3A_147 : i32
      %convert_element_type3A_149 = arith.extui %lt3A_148 : i1 to i32
      %cond3A_150 = arith.constant 0 : i32
      %cond3A_151 = arith.cmpi ne, %convert_element_type3A_149, %cond3A_150 : i32
      scf.if %cond3A_151 {
        %mul3A_205 = arith.constant 256 : i32
        %mul3A_206 = arith.muli %sub3A_146, %mul3A_205 : i32
        %dma_start3A_207 = arith.constant 2 : i32
        %dma_start3A_208 = arith.constant 0 : i32
        %dma_start3A_209 = arith.constant 0 : i32
        %dma_start3A_210 = tpu.memref_slice %arg6[%dma_start3A_207, %dma_start3A_208, %dma_start3A_209] : memref<5x256x64xf32, #tpu.memory_space<vmem>> -> memref<1x256x64xf32, #tpu.memory_space<vmem>>
        %dma_start3A_211 = tpu.memref_squeeze %dma_start3A_210 : memref<1x256x64xf32, #tpu.memory_space<vmem>> -> memref<256x64xf32, #tpu.memory_space<vmem>>
        %dma_start3A_212 = tpu.memref_slice %arg5[%mul3A_206] : memref<6400xi32, #tpu.memory_space<vmem>> -> memref<256xi32, #tpu.memory_space<vmem>>
        %dma_start3A_213 = arith.constant 0 : i32
        %dma_start3A_214 = arith.constant 0 : i32
        %dma_start3A_215 = tpu.memref_slice %arg2[%dma_start3A_213, %dma_start3A_214] : memref<1000000x64xf32, #tpu.memory_space<hbm>> -> memref<1000000x64xf32, #tpu.memory_space<hbm>>
        tpu.enqueue_indirect_dma source(%dma_start3A_215 : memref<1000000x64xf32, #tpu.memory_space<hbm>>) target(%dma_start3A_211 : memref<256x64xf32, #tpu.memory_space<vmem>>) offsets(%dma_start3A_212 : memref<256xi32, #tpu.memory_space<vmem>>) semaphore(%arg9 : memref<!tpu.dma_semaphore, #tpu.memory_space<semaphore_mem>>)
      } else {
      }
      %dma_wait3A_152 = arith.constant 3 : i32
      %dma_wait3A_153 = arith.constant 0 : i32
      %dma_wait3A_154 = arith.constant 0 : i32
      %dma_wait3A_155 = tpu.memref_slice %arg6[%dma_wait3A_152, %dma_wait3A_153, %dma_wait3A_154] : memref<5x256x64xf32, #tpu.memory_space<vmem>> -> memref<1x256x64xf32, #tpu.memory_space<vmem>>
      %dma_wait3A_156 = tpu.memref_squeeze %dma_wait3A_155 : memref<1x256x64xf32, #tpu.memory_space<vmem>> -> memref<256x64xf32, #tpu.memory_space<vmem>>
      %dma_wait3A_157 = arith.constant 0 : i32
      %dma_wait3A_158 = arith.constant 0 : i32
      %dma_wait3A_159 = tpu.memref_slice %arg2[%dma_wait3A_157, %dma_wait3A_158] : memref<1000000x64xf32, #tpu.memory_space<hbm>> -> memref<256x64xf32, #tpu.memory_space<hbm>>
      %dma_wait3A_160 = arith.constant 0 : i32
      %dma_wait3A_161 = arith.constant 0 : i32
      %dma_wait3A_162 = tpu.memref_slice %arg6[%dma_wait3A_152, %dma_wait3A_160, %dma_wait3A_161] : memref<5x256x64xf32, #tpu.memory_space<vmem>> -> memref<1x256x64xf32, #tpu.memory_space<vmem>>
      %dma_wait3A_163 = tpu.memref_squeeze %dma_wait3A_162 : memref<1x256x64xf32, #tpu.memory_space<vmem>> -> memref<256x64xf32, #tpu.memory_space<vmem>>
      %dma_wait3A_164 = arith.constant 0 : i32
      %dma_wait3A_165 = arith.constant 0 : i32
      %dma_wait3A_166 = tpu.memref_slice %arg2[%dma_wait3A_164, %dma_wait3A_165] : memref<1000000x64xf32, #tpu.memory_space<hbm>> -> memref<256x64xf32, #tpu.memory_space<hbm>>
      tpu.wait_dma2 semaphore(%arg10 : memref<!tpu.dma_semaphore, #tpu.memory_space<semaphore_mem>>) src(%dma_wait3A_166 : memref<256x64xf32, #tpu.memory_space<hbm>>) dst(%dma_wait3A_163 : memref<256x64xf32, #tpu.memory_space<vmem>>)
      %add3A_167 = arith.constant 3 : i32
      %add3A_168 = arith.addi %add3A_50, %add3A_167 : i32
      %mul3A_169 = arith.constant 256 : i32
      %mul3A_170 = arith.muli %add3A_168, %mul3A_169 : i32
      %add3A_171 = arith.addi %mul3A_2, %mul3A_170 : i32
      %run_scoped3A_172 = arith.constant 3 : i32
      "tpu.region"() ({
        %run_scoped3A_205 = tpu.sem_alloc : memref<!tpu.dma_semaphore, #tpu.memory_space<semaphore_mem>>
        %dma_start3A_206 = arith.constant 0 : i32
        %dma_start3A_207 = arith.constant 0 : i32
        %dma_start3A_208 = tpu.memref_slice %arg6[%run_scoped3A_172, %dma_start3A_206, %dma_start3A_207] : memref<5x256x64xf32, #tpu.memory_space<vmem>> -> memref<1x256x64xf32, #tpu.memory_space<vmem>>
        %dma_start3A_209 = tpu.memref_squeeze %dma_start3A_208 : memref<1x256x64xf32, #tpu.memory_space<vmem>> -> memref<256x64xf32, #tpu.memory_space<vmem>>
        %dma_start3A_210 = arith.constant 0 : i32
        %dma_start3A_211 = tpu.memref_slice %arg4[%add3A_171, %dma_start3A_210] : memref<204800x64xf32, #tpu.memory_space<hbm>> -> memref<256x64xf32, #tpu.memory_space<hbm>>
        %dma_start3A_212 = arith.constant 0 : i32
        %dma_start3A_213 = tpu.memref_slice %arg4[%add3A_171, %dma_start3A_212] : memref<204800x64xf32, #tpu.memory_space<hbm>> -> memref<256x64xf32, #tpu.memory_space<hbm>>
        %dma_start3A_214 = arith.constant 0 : i32
        %dma_start3A_215 = arith.constant 0 : i32
        %dma_start3A_216 = tpu.memref_slice %arg6[%run_scoped3A_172, %dma_start3A_214, %dma_start3A_215] : memref<5x256x64xf32, #tpu.memory_space<vmem>> -> memref<1x256x64xf32, #tpu.memory_space<vmem>>
        %dma_start3A_217 = tpu.memref_squeeze %dma_start3A_216 : memref<1x256x64xf32, #tpu.memory_space<vmem>> -> memref<256x64xf32, #tpu.memory_space<vmem>>
        tpu.enqueue_dma source(%dma_start3A_217 : memref<256x64xf32, #tpu.memory_space<vmem>>) target(%dma_start3A_213 : memref<256x64xf32, #tpu.memory_space<hbm>>) target_semaphore(%run_scoped3A_205 : memref<!tpu.dma_semaphore, #tpu.memory_space<semaphore_mem>>)
        %dma_wait3A_218 = arith.constant 0 : i32
        %dma_wait3A_219 = arith.constant 0 : i32
        %dma_wait3A_220 = tpu.memref_slice %arg6[%run_scoped3A_172, %dma_wait3A_218, %dma_wait3A_219] : memref<5x256x64xf32, #tpu.memory_space<vmem>> -> memref<1x256x64xf32, #tpu.memory_space<vmem>>
        %dma_wait3A_221 = tpu.memref_squeeze %dma_wait3A_220 : memref<1x256x64xf32, #tpu.memory_space<vmem>> -> memref<256x64xf32, #tpu.memory_space<vmem>>
        %dma_wait3A_222 = arith.constant 0 : i32
        %dma_wait3A_223 = tpu.memref_slice %arg4[%add3A_171, %dma_wait3A_222] : memref<204800x64xf32, #tpu.memory_space<hbm>> -> memref<256x64xf32, #tpu.memory_space<hbm>>
        %dma_wait3A_224 = arith.constant 0 : i32
        %dma_wait3A_225 = tpu.memref_slice %arg4[%add3A_171, %dma_wait3A_224] : memref<204800x64xf32, #tpu.memory_space<hbm>> -> memref<256x64xf32, #tpu.memory_space<hbm>>
        %dma_wait3A_226 = arith.constant 0 : i32
        %dma_wait3A_227 = arith.constant 0 : i32
        %dma_wait3A_228 = tpu.memref_slice %arg6[%run_scoped3A_172, %dma_wait3A_226, %dma_wait3A_227] : memref<5x256x64xf32, #tpu.memory_space<vmem>> -> memref<1x256x64xf32, #tpu.memory_space<vmem>>
        %dma_wait3A_229 = tpu.memref_squeeze %dma_wait3A_228 : memref<1x256x64xf32, #tpu.memory_space<vmem>> -> memref<256x64xf32, #tpu.memory_space<vmem>>
        tpu.wait_dma2 semaphore(%run_scoped3A_205 : memref<!tpu.dma_semaphore, #tpu.memory_space<semaphore_mem>>) src(%dma_wait3A_229 : memref<256x64xf32, #tpu.memory_space<vmem>>) dst(%dma_wait3A_225 : memref<256x64xf32, #tpu.memory_space<hbm>>)
        tpu.yield
      }) : () -> ()
      %add3A_173 = arith.constant 4 : i32
      %add3A_174 = arith.addi %add3A_50, %add3A_173 : i32
      %add3A_175 = arith.constant 5 : i32
      %add3A_176 = arith.addi %add3A_174, %add3A_175 : i32
      %sub3A_177 = arith.constant 1 : i32
      %sub3A_178 = arith.subi %add3A_176, %sub3A_177 : i32
      %lt3A_179 = arith.constant 25 : i32
      %lt3A_180 = arith.cmpi slt, %sub3A_178, %lt3A_179 : i32
      %convert_element_type3A_181 = arith.extui %lt3A_180 : i1 to i32
      %cond3A_182 = arith.constant 0 : i32
      %cond3A_183 = arith.cmpi ne, %convert_element_type3A_181, %cond3A_182 : i32
      scf.if %cond3A_183 {
        %mul3A_205 = arith.constant 256 : i32
        %mul3A_206 = arith.muli %sub3A_178, %mul3A_205 : i32
        %dma_start3A_207 = arith.constant 3 : i32
        %dma_start3A_208 = arith.constant 0 : i32
        %dma_start3A_209 = arith.constant 0 : i32
        %dma_start3A_210 = tpu.memref_slice %arg6[%dma_start3A_207, %dma_start3A_208, %dma_start3A_209] : memref<5x256x64xf32, #tpu.memory_space<vmem>> -> memref<1x256x64xf32, #tpu.memory_space<vmem>>
        %dma_start3A_211 = tpu.memref_squeeze %dma_start3A_210 : memref<1x256x64xf32, #tpu.memory_space<vmem>> -> memref<256x64xf32, #tpu.memory_space<vmem>>
        %dma_start3A_212 = tpu.memref_slice %arg5[%mul3A_206] : memref<6400xi32, #tpu.memory_space<vmem>> -> memref<256xi32, #tpu.memory_space<vmem>>
        %dma_start3A_213 = arith.constant 0 : i32
        %dma_start3A_214 = arith.constant 0 : i32
        %dma_start3A_215 = tpu.memref_slice %arg2[%dma_start3A_213, %dma_start3A_214] : memref<1000000x64xf32, #tpu.memory_space<hbm>> -> memref<1000000x64xf32, #tpu.memory_space<hbm>>
        tpu.enqueue_indirect_dma source(%dma_start3A_215 : memref<1000000x64xf32, #tpu.memory_space<hbm>>) target(%dma_start3A_211 : memref<256x64xf32, #tpu.memory_space<vmem>>) offsets(%dma_start3A_212 : memref<256xi32, #tpu.memory_space<vmem>>) semaphore(%arg10 : memref<!tpu.dma_semaphore, #tpu.memory_space<semaphore_mem>>)
      } else {
      }
      %dma_wait3A_184 = arith.constant 4 : i32
      %dma_wait3A_185 = arith.constant 0 : i32
      %dma_wait3A_186 = arith.constant 0 : i32
      %dma_wait3A_187 = tpu.memref_slice %arg6[%dma_wait3A_184, %dma_wait3A_185, %dma_wait3A_186] : memref<5x256x64xf32, #tpu.memory_space<vmem>> -> memref<1x256x64xf32, #tpu.memory_space<vmem>>
      %dma_wait3A_188 = tpu.memref_squeeze %dma_wait3A_187 : memref<1x256x64xf32, #tpu.memory_space<vmem>> -> memref<256x64xf32, #tpu.memory_space<vmem>>
      %dma_wait3A_189 = arith.constant 0 : i32
      %dma_wait3A_190 = arith.constant 0 : i32
      %dma_wait3A_191 = tpu.memref_slice %arg2[%dma_wait3A_189, %dma_wait3A_190] : memref<1000000x64xf32, #tpu.memory_space<hbm>> -> memref<256x64xf32, #tpu.memory_space<hbm>>
      %dma_wait3A_192 = arith.constant 0 : i32
      %dma_wait3A_193 = arith.constant 0 : i32
      %dma_wait3A_194 = tpu.memref_slice %arg6[%dma_wait3A_184, %dma_wait3A_192, %dma_wait3A_193] : memref<5x256x64xf32, #tpu.memory_space<vmem>> -> memref<1x256x64xf32, #tpu.memory_space<vmem>>
      %dma_wait3A_195 = tpu.memref_squeeze %dma_wait3A_194 : memref<1x256x64xf32, #tpu.memory_space<vmem>> -> memref<256x64xf32, #tpu.memory_space<vmem>>
      %dma_wait3A_196 = arith.constant 0 : i32
      %dma_wait3A_197 = arith.constant 0 : i32
      %dma_wait3A_198 = tpu.memref_slice %arg2[%dma_wait3A_196, %dma_wait3A_197] : memref<1000000x64xf32, #tpu.memory_space<hbm>> -> memref<256x64xf32, #tpu.memory_space<hbm>>
      tpu.wait_dma2 semaphore(%arg11 : memref<!tpu.dma_semaphore, #tpu.memory_space<semaphore_mem>>) src(%dma_wait3A_198 : memref<256x64xf32, #tpu.memory_space<hbm>>) dst(%dma_wait3A_195 : memref<256x64xf32, #tpu.memory_space<vmem>>)
      %add3A_199 = arith.constant 4 : i32
      %add3A_200 = arith.addi %add3A_50, %add3A_199 : i32
      %mul3A_201 = arith.constant 256 : i32
      %mul3A_202 = arith.muli %add3A_200, %mul3A_201 : i32
      %add3A_203 = arith.addi %mul3A_2, %mul3A_202 : i32
      %run_scoped3A_204 = arith.constant 4 : i32
      "tpu.region"() ({
        %run_scoped3A_205 = tpu.sem_alloc : memref<!tpu.dma_semaphore, #tpu.memory_space<semaphore_mem>>
        %dma_start3A_206 = arith.constant 0 : i32
        %dma_start3A_207 = arith.constant 0 : i32
        %dma_start3A_208 = tpu.memref_slice %arg6[%run_scoped3A_204, %dma_start3A_206, %dma_start3A_207] : memref<5x256x64xf32, #tpu.memory_space<vmem>> -> memref<1x256x64xf32, #tpu.memory_space<vmem>>
        %dma_start3A_209 = tpu.memref_squeeze %dma_start3A_208 : memref<1x256x64xf32, #tpu.memory_space<vmem>> -> memref<256x64xf32, #tpu.memory_space<vmem>>
        %dma_start3A_210 = arith.constant 0 : i32
        %dma_start3A_211 = tpu.memref_slice %arg4[%add3A_203, %dma_start3A_210] : memref<204800x64xf32, #tpu.memory_space<hbm>> -> memref<256x64xf32, #tpu.memory_space<hbm>>
        %dma_start3A_212 = arith.constant 0 : i32
        %dma_start3A_213 = tpu.memref_slice %arg4[%add3A_203, %dma_start3A_212] : memref<204800x64xf32, #tpu.memory_space<hbm>> -> memref<256x64xf32, #tpu.memory_space<hbm>>
        %dma_start3A_214 = arith.constant 0 : i32
        %dma_start3A_215 = arith.constant 0 : i32
        %dma_start3A_216 = tpu.memref_slice %arg6[%run_scoped3A_204, %dma_start3A_214, %dma_start3A_215] : memref<5x256x64xf32, #tpu.memory_space<vmem>> -> memref<1x256x64xf32, #tpu.memory_space<vmem>>
        %dma_start3A_217 = tpu.memref_squeeze %dma_start3A_216 : memref<1x256x64xf32, #tpu.memory_space<vmem>> -> memref<256x64xf32, #tpu.memory_space<vmem>>
        tpu.enqueue_dma source(%dma_start3A_217 : memref<256x64xf32, #tpu.memory_space<vmem>>) target(%dma_start3A_213 : memref<256x64xf32, #tpu.memory_space<hbm>>) target_semaphore(%run_scoped3A_205 : memref<!tpu.dma_semaphore, #tpu.memory_space<semaphore_mem>>)
        %dma_wait3A_218 = arith.constant 0 : i32
        %dma_wait3A_219 = arith.constant 0 : i32
        %dma_wait3A_220 = tpu.memref_slice %arg6[%run_scoped3A_204, %dma_wait3A_218, %dma_wait3A_219] : memref<5x256x64xf32, #tpu.memory_space<vmem>> -> memref<1x256x64xf32, #tpu.memory_space<vmem>>
        %dma_wait3A_221 = tpu.memref_squeeze %dma_wait3A_220 : memref<1x256x64xf32, #tpu.memory_space<vmem>> -> memref<256x64xf32, #tpu.memory_space<vmem>>
        %dma_wait3A_222 = arith.constant 0 : i32
        %dma_wait3A_223 = tpu.memref_slice %arg4[%add3A_203, %dma_wait3A_222] : memref<204800x64xf32, #tpu.memory_space<hbm>> -> memref<256x64xf32, #tpu.memory_space<hbm>>
        %dma_wait3A_224 = arith.constant 0 : i32
        %dma_wait3A_225 = tpu.memref_slice %arg4[%add3A_203, %dma_wait3A_224] : memref<204800x64xf32, #tpu.memory_space<hbm>> -> memref<256x64xf32, #tpu.memory_space<hbm>>
        %dma_wait3A_226 = arith.constant 0 : i32
        %dma_wait3A_227 = arith.constant 0 : i32
        %dma_wait3A_228 = tpu.memref_slice %arg6[%run_scoped3A_204, %dma_wait3A_226, %dma_wait3A_227] : memref<5x256x64xf32, #tpu.memory_space<vmem>> -> memref<1x256x64xf32, #tpu.memory_space<vmem>>
        %dma_wait3A_229 = tpu.memref_squeeze %dma_wait3A_228 : memref<1x256x64xf32, #tpu.memory_space<vmem>> -> memref<256x64xf32, #tpu.memory_space<vmem>>
        tpu.wait_dma2 semaphore(%run_scoped3A_205 : memref<!tpu.dma_semaphore, #tpu.memory_space<semaphore_mem>>) src(%dma_wait3A_229 : memref<256x64xf32, #tpu.memory_space<vmem>>) dst(%dma_wait3A_225 : memref<256x64xf32, #tpu.memory_space<hbm>>)
        tpu.yield
      }) : () -> ()
    }
    %scan3A_45 = arith.constant 5 : i32
    return
  }
}

</mosaic_0001>

<sc_bundles>
// kernel: emb_gather.3.cloned.1.call-start
scs
__scs_entry_jumppad:
0x0: {  	(pc) =	sbr.rel $0x88, $3  }
0x1: {  	(tag) =	ssettag $0x0;
	lr =	simm.s32 $0x1  }
0x2: {  	[smem:$0x3F9F] =	sst lr;
	_ =	strace $0xD0000000  }
0x3: {  	_ = 	snop  }
0x4: {  	_ = 	snop  }
0x5: {  	_ = 	snop  }
0x6: {  	_ = 	snop  }
0x7: {  	_ = 	snop  }
__scs_overlays_trampoline_lowered:
0x8: {  	[smem:$0x3FAE] =	sst s0  }
0x9: {  	[smem:$0x3FAF] =	sst s1  }
0xa: {  	[smem:$0x3FB0] =	sst s2  }
0xb: {  	[smem:$0x3FB1] =	sst s3  }
0xc: {  	[smem:$0x3FB2] =	sst s4  }
0xd: {  	[smem:$0x3FB3] =	sst s5  }
0xe: {  	[smem:$0x3FB4] =	sst s6  }
0xf: {  	[smem:$0x3FB5] =	sst s7  }
0x10: {  	[smem:$0x3FB6] =	sst s8  }
0x11: {  	[smem:$0x3FB7] =	sst s9;
	s0 =	simm.s32 @!p0 $0x0  }
0x12: {  	s1 =	sld [smem:$0x3F9D];
	s0 =	simm.s32 @p0 $0x1  }
0x13: {  	[smem:$0x3FB8] =	sst s0;
	s0 =	simm.s32 @!p1 $0x0  }
0x14: {  	s2 =	sld [smem:$0x3F9C];
	s0 =	simm.s32 @p1 $0x1  }
0x15: {  	[smem:$0x3FB9] =	sst s0;
	s0 =	simm.s32 @!p2 $0x0  }
0x16: {  	s3 =	sld [smem:$0x3FDB];
	s0 =	simm.s32 @p2 $0x1  }
0x17: {  	s4 =	simm.s32 $0x1BF5;
	[smem:$0x3FBB] =	sst s0  }
0x18: {  	s0 =	sld [smem:$0x3F9E];
	_ =	swait.ge [sflag:s4], $0x0  }
0x19: {  	s7 =	sld [smem:$0x3F9F]  }
0x1a: {  	s8 =	sadd.s32 $0xFFFFE003, lr  }
0x1b: {  	s9 =	sadd.s32 $0xFFFFFEF7, lr;
	s5 =	simm.s32 $0xFFFFFFFF;
	p2 =	slt.u32 s8, $0xFFFFF086  }
0x1c: {  	p1 =	slt.u32 s9, $0xF7A;
	s5 =	simm.s32 @!p2 $0x0  }
0x1d: {  	s5 =	simm.s32 @p1 $0x1;
	p0 =	seq.s32 s7, s2  }
0x1e: {  	s7 =	smul.u32 @!p0 $0xF7A, s2;
	p2 =	seq.s32 @!p0 s5, $0x0  }
0x1f: {  	s9 =	smul.u32 $0xF7A, s1;
	s8 =	simm.s32 @!p0 $0x1BF5;
	p2 =	por !p2, p0  }
0x20: {  	[sflag:s8] =	ssyncset.s32 @!p0 $0xFFFFF086;
	s6 =	sadd.s32 @!p0 s3, s7;
	s7 =	simm.s32 @!p0 $0x108  }
0x21: {  	s3 =	sadd.s32 s3, s9;
	s6 =	sadd.s32 @!p0 $0x88, s6;
	s7 =	simm.s32 @p2 $0x1082  }
0x22: {  	[simem:s7], [sflag:s8] =	dma.local @!p0 [hbm:s6], $0xF7A  }
0x23: {  	s9 =	sor.u32 $0xD0000000, s2;
	s6 =	simm.s32 $0x108;
	_ =	swait.ge @!p0 [sflag:s8], $0x0  }
0x24: {  	s3 =	sadd.s32 $0x88, s3;
	s6 =	simm.s32 @!p1 $0x1082;
	[sflag:s4] =	ssyncset.s32 $0xFFFFF086  }
0x25: {  	[simem:s6], [sflag:s4] =	dma.local [hbm:s3], $0xF7A  }
0x26: {  	[smem:$0x3F9F] =	sst s1;
	(tag) =	ssettag s2;
	_ =	strace s9  }
0x27: {  	s1 =	sld [smem:$0x3FAF]  }
0x28: {  	s2 =	sld [smem:$0x3FB0]  }
0x29: {  	s4 =	sld [smem:$0x3FB2]  }
0x2a: {  	p0 =	seq.s32 s5, $0x0;
	s5 =	sld [smem:$0x3FB3]  }
0x2b: {  	s6 =	sld [smem:$0x3FB4]  }
0x2c: {  	s7 =	sld [smem:$0x3FB5]  }
0x2d: {  	s3 =	simm.s32 $0x108;
	s8 =	sld [smem:$0x3FB6]  }
0x2e: {  	s3 =	simm.s32 @!p0 $0x1082;
	s9 =	sld [smem:$0x3FB7]  }
0x2f: {  	lr =	sadd.s32 s0, s3;
	s0 =	sld [smem:$0x3FAE]  }
0x30: {  	s3 =	sld [smem:$0x3FB1]  }
0x31: {  	[smem:$0x3FBA] =	sst s10  }
0x32: {  	s10 =	sld [smem:$0x3FB8];
	_ =	sdelay $0x3  }
0x33: {  	p0 =	seq.s32 s10, $0x1;
	s10 =	sld [smem:$0x3FBA];
	_ =	sdelay $0x3  }
0x34: {  	[smem:$0x3FBA] =	sst s10  }
0x35: {  	s10 =	sld [smem:$0x3FB9];
	_ =	sdelay $0x3  }
0x36: {  	p1 =	seq.s32 s10, $0x1;
	s10 =	sld [smem:$0x3FBA];
	_ =	sdelay $0x3  }
0x37: {  	[smem:$0x3FBA] =	sst s10  }
0x38: {  	s10 =	sld [smem:$0x3FBB]  }
0x39: {  	_ = 	snop;
	(pc) =	sbr.ind lr, $3  }
0x3a: {  	_ = 	snop  }
0x3b: {  	_ = 	snop  }
0x3c: {  	p2 =	seq.s32 s10, $0x1;
	s10 =	sld [smem:$0x3FBA]  }
0x3d: {  	_ =	shalt  }
0x3e: {  	_ =	shalt  }
0x3f: {  	_ =	shalt  }
0x40: {  	_ =	shalt  }
0x41: {  	_ =	shalt  }
0x42: {  	_ =	shalt  }
0x43: {  	_ =	shalt  }
0x44: {  	_ =	shalt  }
0x45: {  	_ =	shalt  }
0x46: {  	_ =	shalt  }
0x47: {  	_ =	shalt  }
0x48: {  	_ =	shalt  }
0x49: {  	_ =	shalt  }
0x4a: {  	_ =	shalt  }
0x4b: {  	_ =	shalt  }
0x4c: {  	_ =	shalt  }
0x4d: {  	_ =	shalt  }
0x4e: {  	_ =	shalt  }
0x4f: {  	_ =	shalt  }
0x50: {  	_ =	shalt  }
0x51: {  	_ =	shalt  }
0x52: {  	_ =	shalt  }
0x53: {  	_ =	shalt  }
0x54: {  	_ =	shalt  }
0x55: {  	_ =	shalt  }
0x56: {  	_ =	shalt  }
0x57: {  	_ =	shalt  }
0x58: {  	_ =	shalt  }
0x59: {  	_ =	shalt  }
0x5a: {  	_ =	shalt  }
0x5b: {  	_ =	shalt  }
0x5c: {  	_ =	shalt  }
0x5d: {  	_ =	shalt  }
0x5e: {  	_ =	shalt  }
0x5f: {  	_ =	shalt  }
0x60: {  	_ =	shalt  }
0x61: {  	_ =	shalt  }
0x62: {  	_ =	shalt  }
0x63: {  	_ =	shalt  }
0x64: {  	_ =	shalt  }
0x65: {  	_ =	shalt  }
0x66: {  	_ =	shalt  }
0x67: {  	_ =	shalt  }
0x68: {  	_ =	shalt  }
0x69: {  	_ =	shalt  }
0x6a: {  	_ =	shalt  }
0x6b: {  	_ =	shalt  }
0x6c: {  	_ =	shalt  }
0x6d: {  	_ =	shalt  }
0x6e: {  	_ =	shalt  }
0x6f: {  	_ =	shalt  }
0x70: {  	_ =	shalt  }
0x71: {  	_ =	shalt  }
0x72: {  	_ =	shalt  }
0x73: {  	_ =	shalt  }
0x74: {  	_ =	shalt  }
0x75: {  	_ =	shalt  }
0x76: {  	_ =	shalt  }
0x77: {  	_ =	shalt  }
0x78: {  	_ =	shalt  }
0x79: {  	_ =	shalt  }
0x7a: {  	_ =	shalt  }
0x7b: {  	_ =	shalt  }
0x7c: {  	_ =	shalt  }
0x7d: {  	_ =	shalt  }
0x7e: {  	_ =	shalt  }
0x7f: {  	_ =	shalt  }
0x80: {  	_ =	shalt  }
0x81: {  	_ =	shalt  }
0x82: {  	_ =	shalt  }
0x83: {  	_ =	shalt  }
0x84: {  	_ =	shalt  }
0x85: {  	_ =	shalt  }
0x86: {  	_ =	shalt  }
0x87: {  	_ =	shalt  }
.Lfunc_end0:
.L_simem_size_0:
called_computation.1_lowered:
.L_overlay_start_0:
0x88: {  	s2 =	sld [smem:$0x3FD9]  }
0x89: {  	s3 =	sld [smem:$0x3FFE];
	_ =	sdelay $0x1  }
0x8a: {  	s1 =	srdreg.scid  }
0x8b: {  	s0 =	sand.u32 $0x1, s1  }
0x8c: {  	s17 =	sshll.u32 s0, $0xA;
	s2 =	sadd.s32 s3, s2  }
0x8d: {  	s2 =	sadd.s32 s2, s17  }
0x8e: {  	[smem:$0x3FC6] =	sst s2  }
0x8f: {  	_ = 	snop  }
0x90: {  	s2 =	sld [smem:$0x3FD0];
	(tm) =	ssettm $0x1  }
0x91: {  	s18 =	sld [smem:$0x3FFB];
	_ =	sdelay $0x3  }
0x92: {  	_ =	strace s18  }
0x93: {  	s3 =	sld [smem:$0x3FFC];
	_ =	sdelay $0x3  }
0x94: {  	_ =	strace s3  }
0x95: {  	s3 =	sld [smem:$0x3FFD];
	_ =	sdelay $0x3  }
0x96: {  	_ =	strace s3  }
0x97: {  	_ =	strace $0x8FFFFFFF  }
0x98: {  	s19 =	sld [smem:$0x3FDB];
	_ =	sdelay $0x1  }
0x99: {  	s4 =	simm.s32 $_scs_section_size  }
0x9a: {  	s5 =	simm.s32 $_size__tile_overlayer_lowered;
	s6 =	simm.s32 $_tile_overlayer_lowered  }
0x9b: {  	s22 =	simm.s32 $0x1BFF;
	s21 =	sshll.u32 s6, $0x1;
	s3 =	sadd.s32 s4, s19  }
0x9c: {  	s7 =	simm.s32 $0x0;
	s20 =	sshll.u32 s5, $0x1;
	s5 =	sadd.s32 s21, s3  }
0x9d: {  	[timem:s7], [sflag:s22] =	dma.local [hbm:s5], s20  }
0x9e: {  	_ =	swait.ge [sflag:s22], s20  }
0x9f: {  	s4 =	ssub.s32 $0x0, s20;
	[sflag:s22] =	ssyncset.done $0x0  }
0xa0: {  	[sflag:s22] =	ssyncadd.s32 s4;
	_ =	sdelay $0x1  }
0xa1: {  	s23 =	simm.s32 $0x1B8B  }
0xa2: {  	_ =	swait.ge [sflag:s23], $0x1  }
0xa3: {  	[sflag:s23] =	ssyncset.done $0x0  }
0xa4: {  	s25 =	simm.s32 $0x1B8E;
	s24 =	sld [smem:$0x3FFE];
	[sflag:s23] =	ssyncadd.s32 $0xFFFFFFFF  }
0xa5: {  	s26 =	simm.s32 $execute0_lowered;
	[smem:$0x3FD2] =	sst s25  }
0xa6: {  	s5 =	sshll.u32 s26, $0x1;
	_ =	strace $0x80000046;
	[dreg:$0x1] =	wrdreg $0xFFFFFFFF  }
0xa7: {  	s28 =	simm.s32 $_size_execute0_lowered;
	s3 =	sadd.s32 s3, s5;
	[dreg:$0x0] =	wrdreg $0x0  }
0xa8: {  	s5 =	sshll.u32 s28, $0x1;
	[dreg:$0x2] =	wrdreg s3  }
0xa9: {  	[dreg:$0x3] =	wrdreg s5  }
0xaa: {  	[dreg:$0x4] =	wrdreg $0xC0  }
0xab: {  	_ =	task [dreg:s7], $0x5FFFF  }
0xac: {  	[dreg:$0x1] =	wrdreg $0xFFFFFFFF  }
0xad: {  	[dreg:$0x0] =	wrdreg $0x60  }
0xae: {  	[dreg:$0x2] =	wrdreg s24  }
0xaf: {  	[dreg:$0x3] =	wrdreg s2  }
0xb0: {  	[dreg:$0x4] =	wrdreg $0x9  }
0xb1: {  	_ =	task.clear_ibuf [dreg:s7], $0x5FFFF;
	_ =	strace $0x90000046  }
0xb2: {  	s29 =	simm.s32 $0x9;
	_ =	strace $0x80000048  }
0xb3: {  	_ =	swait.ge [sflag:s29], $0x1  }
0xb4: {  	[sflag:s29] =	ssyncadd.s32 $0xFFFFFFFF  }
0xb5: {  	_ =	strace $0x90000048  }
0xb6: {  	_ =	sfence  }
0xb7: {  	s30 =	sld [smem:$0x0];
	_ =	sdelay $0x2  }
0xb8: {  	s31 =	sshll.u32 s1, $0xD;
	s1 =	sshrl.u32 s1, $0x2  }
0xb9: {  	s3 =	sand.u32 $0x4000, s31;
	s1 =	sadd.s32 s1, s30  }
0xba: {  	s0 =	sor.u32 s3, s0;
	s1 =	sshll.u32 s1, $0x11  }
0xbb: {  	s0 =	sor.u32 s1, s0  }
0xbc: {  	s0 =	sadd.s32 $0x8F2B, s0  }
0xbd: {  	[sflag:s0] =	ssyncadd.remote.s32 $0x1  }
0xbe: {  	_ =	sfence.sel $0xFFFF  }
0xbf: {  	[dreg:$0x0] =	wrdreg $0xFFFFFFFF;
	(pc) =	sbr.abs _section_cstart, $3  }
0xc0: {  	[dreg:$0x1] =	wrdreg $0xFFFFFFFF  }
0xc1: {  	_ =	task.clear_ibuf [dreg:s7], $0x2FFFF;
	_ =	strace $0x9FFFFFFF  }
0xc2: {  	(tm) =	ssettm $0x7FFFFFFF  }
0xc3: {  	_ =	shalt  }
tec
execute0_lowered:
.L_overlay_start_1:
0x0: {  	(tag) =	ssettag $0x1  }
0x1: {  	s0 =	rddreg [dreg:$0x0]  }
0x2: {  	s1 =	rddreg [dreg:$0x1];
	s3 =	srdreg.scid  }
0x3: {  	s11 =	stileid.u32;
	s2 =	simm.s32 $0x0;
	s13 =	simm.s32 $0x1900  }
0x4: {  	s14 =	simm.s32 $0x5900;
	s16 =	simm.s32 $0x9900;
	s5 =	smul.u32 $0x3200, s11  }
0x5: {  	s18 =	simm.s32 $0xD900;
	s19 =	simm.s32 $0x11900;
	s9 =	smul.u32 $0xC8000, s11  }
0x6: {  	s20 =	simm.s32 $0x1;
	s7 =	sand.u32 $0x1, s3;
	s28 =	smul.u32 $0x19000, s11  }
0x7: {  	s21 =	simm.s32 $0x2;
	s22 =	simm.s32 $0x3;
	s8 =	smul.u32 $0x1900, s7  }
0x8: {  	s23 =	sshll.u32 s11, $0x1;
	[smem:$0x7FF] =	sst s2;
	s10 =	smul.u32 $0x64000, s7  }
0x9: {  	s3 =	sor.u32 s7, s23;
	_ =	strace $0x80000047;
	s30 =	smul.u32 $0xC800, s7  }
0xa: {  	s6 =	ssub.s32 $0x2, s7;
	s23 =	simm.s32 $0x4;
	s4 =	smul.u32 $0x1900, s3  }
0xb: {  	s3 =	sadd.s32 $0xF42E00, s0;
	s24 =	sshrl.u32 s6, $0x1;
	s11 =	sadd.s32 s28, s1  }
0xc: {  	s6 =	ssub.s32 s6, s24;
	s8 =	sadd.s32 s8, s5;
	s9 =	sadd.s32 s10, s9  }
0xd: {  	s24 =	simm.s32 $0x5;
	s4 =	sshrl.u32 s4, $0x3;
	s25 =	smax.u32 s6, $0x1  }
0xe: {  	s26 =	sshll.u32 s8, $0x3;
	s9 =	sadd.s32 $0x10000, s9;
	s0 =	sadd.s32 s4, s0  }
0xf: {  	[dreg:$0x4] =	wrdreg s25;
	s12 =	sshrl.u32 s9, $0x3;
	s0 =	sadd.s32 $0xA00, s0  }
0x10: {  	s9 =	sadd.s32 s30, s11;
	[dreg:$0x3] =	wrdreg s0;
	s0 =	sadd.s32 s1, s26  }
0x11: {  	s11 =	simm.s32 $0x6;
	s25 =	simm.s32 $0x0;
	s29 =	sadd.s32 $0x1800, s0  }
0x12: {  	s10 =	sadd.s32 s12, s1;
	s31 =	sadd.s32 $0x1000, s0;
	[dreg:$0x5] =	wrdreg s29  }
0x13: {  	s12 =	simm.s32 $0x100;
	s8 =	sadd.s32 $0x800, s0;
	[dreg:$0x6] =	wrdreg s31  }
.LBB2_1:
0x14: {  	s0 =	rddreg [dreg:$0x3]  }
0x15: {  	[tilespmem:s2], [sflag:$0x6] =	stream.linear.gather [hbm4b:s0+s2], $0x1900, $0x38;
	[tilespmem:$0x15900] =	vst v63  }
0x16: {  	_ =	swait.ge [sflag:s11], $0x1900  }
0x17: {  	[sflag:s11] =	ssyncset.done $0x0  }
0x18: {  	[sflag:s11] =	ssyncadd.s32 $0xFFFFE700  }
0x19: {  	[tilespmem:s13], [sflag:$0x1] =	stream.indirect.gather [hbm4b:s3+s12], $0x40, s2, s12, $0xb8;
	[tilespmem:$0x15900] =	vst v63  }
0x1a: {  	_ = 	snop  }
0x1b: {  	[tilespmem:s14], [sflag:$0x2] =	stream.indirect.gather [hbm4b:s3+s12], $0x40, s12, s12, $0xb8;
	[tilespmem:$0x15900] =	vst v63  }
0x1c: {  	s15 =	simm.s32 $0x200  }
0x1d: {  	[tilespmem:s16], [sflag:$0x3] =	stream.indirect.gather [hbm4b:s3+s12], $0x40, s15, s12, $0xb8;
	[tilespmem:$0x15900] =	vst v63  }
0x1e: {  	s17 =	simm.s32 $0x300  }
0x1f: {  	[tilespmem:s18], [sflag:$0x4] =	stream.indirect.gather [hbm4b:s3+s12], $0x40, s17, s12, $0xb8;
	[tilespmem:$0x15900] =	vst v63  }
0x20: {  	s26 =	simm.s32 $0x400  }
0x21: {  	[tilespmem:s19], [sflag:$0x5] =	stream.indirect.gather [hbm4b:s3+s12], $0x40, s26, s12, $0xb8;
	[tilespmem:$0x15900] =	vst v63  }
0x22: {  	_ =	swait.ge [sflag:s20], $0x4000  }
0x23: {  	[sflag:s20] =	ssyncset.done $0x0  }
0x24: {  	[sflag:s20] =	ssyncadd.s32 $0xFFFFC000  }
0x25: {  	[hbm4b:s9+s2] =	stream.linear.scatter [tilespmem:s13], [sflag:$0x6], $0x4000, $0x38;
	[tilespmem:$0x15900] =	vst v63  }
0x26: {  	p0 =	por $0x0, $0x0;
	_ =	swait.ge [sflag:s11], $0x4000  }
0x27: {  	s0 =	simm.s32 @!p0 $0x1900;
	[sflag:s11] =	ssyncset.done $0x0  }
0x28: {  	s1 =	simm.s32 @!p0 $0x500;
	s15 =	simm.s32 @!p0 $0x100;
	[sflag:s11] =	ssyncadd.s32 $0xFFFFC000  }
0x29: {  	[tilespmem:s0], [sflag:$0x1] =	stream.indirect.gather @!p0 [hbm4b:s3+s15], $0x40, s1, s15, $0xb8;
	[tilespmem:$0x15900] =	vst v63  }
0x2a: {  	_ =	swait.ge [sflag:s21], $0x4000  }
0x2b: {  	[sflag:s21] =	ssyncset.done $0x0  }
0x2c: {  	[sflag:s21] =	ssyncadd.s32 $0xFFFFC000  }
0x2d: {  	[hbm4b:s8+s2] =	stream.linear.scatter [tilespmem:s14], [sflag:$0x6], $0x4000, $0x38;
	[tilespmem:$0x15900] =	vst v63  }
0x2e: {  	_ =	swait.ge [sflag:s11], $0x4000  }
0x2f: {  	[sflag:s11] =	ssyncset.done $0x0  }
0x30: {  	s0 =	simm.s32 @!p0 $0x600;
	s1 =	simm.s32 @!p0 $0x5900;
	[sflag:s11] =	ssyncadd.s32 $0xFFFFC000  }
0x31: {  	[tilespmem:s1], [sflag:$0x2] =	stream.indirect.gather @!p0 [hbm4b:s3+s15], $0x40, s0, s15, $0xb8;
	[tilespmem:$0x15900] =	vst v63  }
0x32: {  	_ =	swait.ge [sflag:s22], $0x4000  }
0x33: {  	[sflag:s22] =	ssyncset.done $0x0  }
0x34: {  	s5 =	rddreg [dreg:$0x6];
	[sflag:s22] =	ssyncadd.s32 $0xFFFFC000  }
0x35: {  	[hbm4b:s5+s2] =	stream.linear.scatter [tilespmem:s16], [sflag:$0x6], $0x4000, $0x38;
	[tilespmem:$0x15900] =	vst v63  }
0x36: {  	_ =	swait.ge [sflag:s11], $0x4000  }
0x37: {  	[sflag:s11] =	ssyncset.done $0x0  }
0x38: {  	s0 =	simm.s32 @!p0 $0x700;
	s1 =	simm.s32 @!p0 $0x9900;
	[sflag:s11] =	ssyncadd.s32 $0xFFFFC000  }
0x39: {  	[tilespmem:s1], [sflag:$0x3] =	stream.indirect.gather @!p0 [hbm4b:s3+s15], $0x40, s0, s15, $0xb8;
	[tilespmem:$0x15900] =	vst v63  }
0x3a: {  	_ =	swait.ge [sflag:s23], $0x4000  }
0x3b: {  	[sflag:s23] =	ssyncset.done $0x0  }
0x3c: {  	s4 =	rddreg [dreg:$0x5];
	[sflag:s23] =	ssyncadd.s32 $0xFFFFC000  }
0x3d: {  	[hbm4b:s4+s2] =	stream.linear.scatter [tilespmem:s18], [sflag:$0x6], $0x4000, $0x38;
	[tilespmem:$0x15900] =	vst v63  }
0x3e: {  	_ =	swait.ge [sflag:s11], $0x4000  }
0x3f: {  	[sflag:s11] =	ssyncset.done $0x0  }
0x40: {  	s0 =	simm.s32 @!p0 $0x800;
	s1 =	simm.s32 @!p0 $0xD900;
	[sflag:s11] =	ssyncadd.s32 $0xFFFFC000  }
0x41: {  	[tilespmem:s1], [sflag:$0x4] =	stream.indirect.gather @!p0 [hbm4b:s3+s15], $0x40, s0, s15, $0xb8;
	[tilespmem:$0x15900] =	vst v63  }
0x42: {  	_ =	swait.ge [sflag:s24], $0x4000  }
0x43: {  	s31 =	sadd.s32 $0x2800, s9;
	s30 =	sadd.s32 $0x2800, s8;
	[sflag:s24] =	ssyncset.done $0x0  }
0x44: {  	s26 =	sadd.s32 $0x2800, s10;
	s29 =	sadd.s32 $0x2800, s5;
	[sflag:s24] =	ssyncadd.s32 $0xFFFFC000  }
0x45: {  	[hbm4b:s10+s2] =	stream.linear.scatter [tilespmem:s19], [sflag:$0x6], $0x4000, $0x38;
	[tilespmem:$0x15900] =	vst v63  }
0x46: {  	s28 =	sadd.s32 $0x2800, s4;
	s1 =	simm.s32 $0x1400;
	_ =	swait.ge [sflag:s11], $0x4000  }
0x47: {  	s0 =	simm.s32 $0x2800;
	s15 =	simm.s32 $0x500;
	[sflag:s11] =	ssyncset.done $0x0  }
.LBB2_2:
0x48: {  	s17 =	sadd.s32 $0x400, s15;
	[sflag:s11] =	ssyncadd.s32 $0xFFFFC000  }
0x49: {  	s4 =	smov.u32 s0;
	s0 =	sadd.s32 $0x1400, s0;
	s15 =	smov.u32 s26  }
0x4a: {  	[tilespmem:s19], [sflag:$0x5] =	stream.indirect.gather [hbm4b:s3+s12], $0x40, s17, s12, $0xb8;
	[tilespmem:$0x15900] =	vst v63  }
0x4b: {  	p0 =	sne.s32 s0, $0x6400;
	_ =	swait.ge [sflag:s20], $0x4000  }
0x4c: {  	[sflag:s20] =	ssyncset.done $0x0  }
0x4d: {  	[sflag:s20] =	ssyncadd.s32 $0xFFFFC000  }
0x4e: {  	[hbm4b:s31+s2] =	stream.linear.scatter [tilespmem:s13], [sflag:$0x6], $0x4000, $0x38;
	[tilespmem:$0x15900] =	vst v63  }
0x4f: {  	p1 =	seq.s32 s1, $0x5000;
	_ =	swait.ge [sflag:s11], $0x4000  }
0x50: {  	s1 =	sshra.s32 @!p1 s1, $0x2;
	s17 =	simm.s32 @!p1 $0x1900;
	[sflag:s11] =	ssyncset.done $0x0  }
0x51: {  	s6 =	simm.s32 @!p1 $0x100;
	s5 =	sadd.s32 @!p1 $0x500, s1;
	[sflag:s11] =	ssyncadd.s32 $0xFFFFC000  }
0x52: {  	[tilespmem:s17], [sflag:$0x1] =	stream.indirect.gather @!p1 [hbm4b:s3+s6], $0x40, s5, s6, $0xb8;
	[tilespmem:$0x15900] =	vst v63  }
0x53: {  	s5 =	sadd.s32 @!p1 $0x600, s1;
	s17 =	sadd.s32 @!p1 $0x700, s1;
	_ =	swait.ge [sflag:s21], $0x4000  }
0x54: {  	s7 =	sadd.s32 @!p1 $0x800, s1;
	s1 =	smov.u32 s4;
	[sflag:s21] =	ssyncset.done $0x0  }
0x55: {  	[sflag:s21] =	ssyncadd.s32 $0xFFFFC000  }
0x56: {  	[hbm4b:s30+s2] =	stream.linear.scatter [tilespmem:s14], [sflag:$0x6], $0x4000, $0x38;
	[tilespmem:$0x15900] =	vst v63  }
0x57: {  	_ =	swait.ge [sflag:s11], $0x4000  }
0x58: {  	[sflag:s11] =	ssyncset.done $0x0  }
0x59: {  	s4 =	simm.s32 @!p1 $0x5900;
	[sflag:s11] =	ssyncadd.s32 $0xFFFFC000  }
0x5a: {  	[tilespmem:s4], [sflag:$0x2] =	stream.indirect.gather @!p1 [hbm4b:s3+s6], $0x40, s5, s6, $0xb8;
	[tilespmem:$0x15900] =	vst v63  }
0x5b: {  	_ =	swait.ge [sflag:s22], $0x4000  }
0x5c: {  	[sflag:s22] =	ssyncset.done $0x0  }
0x5d: {  	[sflag:s22] =	ssyncadd.s32 $0xFFFFC000  }
0x5e: {  	[hbm4b:s29+s2] =	stream.linear.scatter [tilespmem:s16], [sflag:$0x6], $0x4000, $0x38;
	[tilespmem:$0x15900] =	vst v63  }
0x5f: {  	_ =	swait.ge [sflag:s11], $0x4000  }
0x60: {  	[sflag:s11] =	ssyncset.done $0x0  }
0x61: {  	s4 =	simm.s32 @!p1 $0x9900;
	[sflag:s11] =	ssyncadd.s32 $0xFFFFC000  }
0x62: {  	[tilespmem:s4], [sflag:$0x3] =	stream.indirect.gather @!p1 [hbm4b:s3+s6], $0x40, s17, s6, $0xb8;
	[tilespmem:$0x15900] =	vst v63  }
0x63: {  	_ =	swait.ge [sflag:s23], $0x4000  }
0x64: {  	[sflag:s23] =	ssyncset.done $0x0  }
0x65: {  	[sflag:s23] =	ssyncadd.s32 $0xFFFFC000  }
0x66: {  	[hbm4b:s28+s2] =	stream.linear.scatter [tilespmem:s18], [sflag:$0x6], $0x4000, $0x38;
	[tilespmem:$0x15900] =	vst v63  }
0x67: {  	_ =	swait.ge [sflag:s11], $0x4000  }
0x68: {  	[sflag:s11] =	ssyncset.done $0x0  }
0x69: {  	s4 =	simm.s32 @!p1 $0xD900;
	[sflag:s11] =	ssyncadd.s32 $0xFFFFC000  }
0x6a: {  	[tilespmem:s4], [sflag:$0x4] =	stream.indirect.gather @!p1 [hbm4b:s3+s6], $0x40, s7, s6, $0xb8;
	[tilespmem:$0x15900] =	vst v63  }
0x6b: {  	_ =	swait.ge [sflag:s24], $0x4000  }
.Ltmp0:
0x6c: {  	[sflag:s24] =	ssyncset.done $0x0;
	(pc) =	sbr.rel @p0 .LBB2_2-.Ltmp0, $4  }
0x6d: {  	s26 =	sadd.s32 $0x2800, s26;
	s31 =	sadd.s32 $0x2800, s31;
	[sflag:s24] =	ssyncadd.s32 $0xFFFFC000  }
0x6e: {  	[hbm4b:s15+s2] =	stream.linear.scatter [tilespmem:s19], [sflag:$0x6], $0x4000, $0x38;
	[tilespmem:$0x15900] =	vst v63  }
0x6f: {  	s30 =	sadd.s32 $0x2800, s30;
	s29 =	sadd.s32 $0x2800, s29;
	_ =	swait.ge [sflag:s11], $0x4000  }
0x70: {  	s28 =	sadd.s32 $0x2800, s28;
	s15 =	sshra.s32 s1, $0x2;
	[sflag:s11] =	ssyncset.done $0x0  }
0x71: {  	s0 =	sadd.s32 $0x400, s15;
	[sflag:s11] =	ssyncadd.s32 $0xFFFFC000  }
0x72: {  	[tilespmem:s19], [sflag:$0x5] =	stream.indirect.gather [hbm4b:s3+s12], $0x40, s0, s12, $0xb8;
	[tilespmem:$0x15900] =	vst v63  }
0x73: {  	_ =	swait.ge [sflag:s20], $0x4000  }
0x74: {  	[sflag:s20] =	ssyncset.done $0x0  }
0x75: {  	[sflag:s20] =	ssyncadd.s32 $0xFFFFC000  }
0x76: {  	[hbm4b:s31+s2] =	stream.linear.scatter [tilespmem:s13], [sflag:$0x6], $0x4000, $0x38;
	[tilespmem:$0x15900] =	vst v63  }
0x77: {  	p0 =	seq.s32 s1, $0x5000;
	_ =	swait.ge [sflag:s11], $0x4000  }
0x78: {  	s0 =	sshra.s32 @!p0 s1, $0x2;
	s1 =	simm.s32 @!p0 $0x1900;
	[sflag:s11] =	ssyncset.done $0x0  }
0x79: {  	s5 =	simm.s32 @!p0 $0x100;
	s4 =	sadd.s32 @!p0 $0x500, s0;
	[sflag:s11] =	ssyncadd.s32 $0xFFFFC000  }
0x7a: {  	[tilespmem:s1], [sflag:$0x1] =	stream.indirect.gather @!p0 [hbm4b:s3+s5], $0x40, s4, s5, $0xb8;
	[tilespmem:$0x15900] =	vst v63  }
0x7b: {  	_ =	swait.ge [sflag:s21], $0x4000  }
0x7c: {  	[sflag:s21] =	ssyncset.done $0x0  }
0x7d: {  	[sflag:s21] =	ssyncadd.s32 $0xFFFFC000  }
0x7e: {  	[hbm4b:s30+s2] =	stream.linear.scatter [tilespmem:s14], [sflag:$0x6], $0x4000, $0x38;
	[tilespmem:$0x15900] =	vst v63  }
0x7f: {  	_ =	swait.ge [sflag:s11], $0x4000  }
0x80: {  	[sflag:s11] =	ssyncset.done $0x0  }
0x81: {  	s1 =	sadd.s32 @!p0 $0x600, s0;
	s4 =	simm.s32 @!p0 $0x5900;
	[sflag:s11] =	ssyncadd.s32 $0xFFFFC000  }
0x82: {  	[tilespmem:s4], [sflag:$0x2] =	stream.indirect.gather @!p0 [hbm4b:s3+s5], $0x40, s1, s5, $0xb8;
	[tilespmem:$0x15900] =	vst v63  }
0x83: {  	_ =	swait.ge [sflag:s22], $0x4000  }
0x84: {  	[sflag:s22] =	ssyncset.done $0x0  }
0x85: {  	[sflag:s22] =	ssyncadd.s32 $0xFFFFC000  }
0x86: {  	[hbm4b:s29+s2] =	stream.linear.scatter [tilespmem:s16], [sflag:$0x6], $0x4000, $0x38;
	[tilespmem:$0x15900] =	vst v63  }
0x87: {  	_ =	swait.ge [sflag:s11], $0x4000  }
0x88: {  	[sflag:s11] =	ssyncset.done $0x0  }
0x89: {  	s1 =	sadd.s32 @!p0 $0x700, s0;
	s4 =	simm.s32 @!p0 $0x9900;
	[sflag:s11] =	ssyncadd.s32 $0xFFFFC000  }
0x8a: {  	[tilespmem:s4], [sflag:$0x3] =	stream.indirect.gather @!p0 [hbm4b:s3+s5], $0x40, s1, s5, $0xb8;
	[tilespmem:$0x15900] =	vst v63  }
0x8b: {  	_ =	swait.ge [sflag:s23], $0x4000  }
0x8c: {  	[sflag:s23] =	ssyncset.done $0x0  }
0x8d: {  	[sflag:s23] =	ssyncadd.s32 $0xFFFFC000  }
0x8e: {  	[hbm4b:s28+s2] =	stream.linear.scatter [tilespmem:s18], [sflag:$0x6], $0x4000, $0x38;
	[tilespmem:$0x15900] =	vst v63  }
0x8f: {  	_ =	swait.ge [sflag:s11], $0x4000  }
0x90: {  	[sflag:s11] =	ssyncset.done $0x0  }
0x91: {  	s0 =	sadd.s32 @!p0 $0x800, s0;
	s1 =	simm.s32 @!p0 $0xD900;
	[sflag:s11] =	ssyncadd.s32 $0xFFFFC000  }
0x92: {  	[tilespmem:s1], [sflag:$0x4] =	stream.indirect.gather @!p0 [hbm4b:s3+s5], $0x40, s0, s5, $0xb8;
	[tilespmem:$0x15900] =	vst v63  }
0x93: {  	_ =	swait.ge [sflag:s24], $0x4000  }
0x94: {  	[sflag:s24] =	ssyncset.done $0x0  }
0x95: {  	[sflag:s24] =	ssyncadd.s32 $0xFFFFC000  }
0x96: {  	[hbm4b:s26+s2] =	stream.linear.scatter [tilespmem:s19], [sflag:$0x6], $0x4000, $0x38;
	[tilespmem:$0x15900] =	vst v63  }
0x97: {  	_ =	swait.ge [sflag:s11], $0x4000  }
0x98: {  	s25 =	sadd.s32 $0x1, s25;
	s31 =	rddreg [dreg:$0x4]  }
0x99: {  	p0 =	sne.s32 s25, s31  }
.Ltmp1:
0x9a: {  	_ = 	snop;
	(pc) =	sbr.rel @p0 .LBB2_1-.Ltmp1, $3  }
0x9b: {  	_ =	sdelay $0x1  }
0x9c: {  	[sflag:s11] =	ssyncset.done $0x0  }
0x9d: {  	[sflag:s11] =	ssyncadd.s32 $0xFFFFC000  }
0x9e: {  	_ =	sfence.sel $0x180000  }
0x9f: {  	[bflag:$0x0] =	sbarrier.arrive $0xFFFF  }
0xa0: {  	_ =	strace $0x90000047  }
0xa1: {  	s0 =	stileid.u32;
	[bflag:$0x2] =	sbarrier.arrive $0xFFFF  }
0xa2: {  	p0 =	sne.s32 s0, $0x0;
	s0 =	rddreg [dreg:$0x2]  }
0xa3: {  	s0 =	sadd.s32 @!p0 $0x100000, s0  }
0xa4: {  	[sflag:s0] =	ssyncadd.tile.s32 @!p0 $0x1;
	_ =	shalt  }
.Lfunc_end2:
_tile_overlayer_lowered:
.L_overlay_start_2:
0xa5: {  	(tag) =	ssettag $0x2  }
0xa6: {  	s0 =	rddreg [dreg:$0x0];
	s2 =	stileid.u32  }
0xa7: {  	s1 =	rddreg [dreg:$0x1];
	p0 =	sne.s32 s2, $0x0  }
0xa8: {  	s3 =	rddreg [dreg:$0x2];
	[bflag:$0x3] =	sbarrier.arrive $0xFFFF;
	s2 =	simm.s32 @!p0 $0x1C06  }
0xa9: {  	[timem:s3], [sflag:s2] =	dma.local @!p0 [hbm:s0], s1  }
0xaa: {  	s0 =	simm.s32 @!p0 $0x6  }
0xab: {  	_ =	swait.ge @!p0 [sflag:s0], s1  }
0xac: {  	s1 =	ssub.s32 @!p0 $0x0, s1;
	[sflag:s0] =	ssyncset.done @!p0 $0x0  }
0xad: {  	[sflag:s0] =	ssyncadd.s32 @!p0 s1  }
0xae: {  	[bflag:$0x3] =	sbarrier.arrive $0xFFFF  }
0xaf: {  	_ =	shalt  }

// kernel: sparse-core-data-format-call.cloned.1.call-start
scs
called_computation_lowered:
.L_overlay_start_0:
0x0: {  	s2 =	sld [smem:$0x3FD9]  }
0x1: {  	s3 =	sld [smem:$0x3FFE];
	_ =	sdelay $0x1  }
0x2: {  	s1 =	srdreg.scid  }
0x3: {  	s0 =	sand.u32 $0x1, s1  }
0x4: {  	s18 =	sshll.u32 s0, $0xA;
	s2 =	sadd.s32 s3, s2  }
0x5: {  	s2 =	sadd.s32 s2, s18  }
0x6: {  	[smem:$0x3FC6] =	sst s2  }
0x7: {  	_ = 	snop  }
0x8: {  	s2 =	sld [smem:$0x3FD0];
	(tm) =	ssettm $0x1  }
0x9: {  	s19 =	sld [smem:$0x3FFB];
	_ =	sdelay $0x3  }
0xa: {  	_ =	strace s19  }
0xb: {  	s3 =	sld [smem:$0x3FFC];
	_ =	sdelay $0x3  }
0xc: {  	_ =	strace s3  }
0xd: {  	s3 =	sld [smem:$0x3FFD];
	_ =	sdelay $0x3  }
0xe: {  	_ =	strace s3  }
0xf: {  	_ =	strace $0x8FFFFFFF  }
0x10: {  	s20 =	sld [smem:$0x3FDB];
	_ =	sdelay $0x1  }
0x11: {  	s4 =	simm.s32 $_scs_section_size  }
0x12: {  	s5 =	simm.s32 $_size__tile_overlayer_lowered;
	s6 =	simm.s32 $_tile_overlayer_lowered  }
0x13: {  	s23 =	simm.s32 $0x1BFF;
	s22 =	sshll.u32 s6, $0x1;
	s3 =	sadd.s32 s4, s20  }
0x14: {  	s7 =	simm.s32 $0x0;
	s21 =	sshll.u32 s5, $0x1;
	s5 =	sadd.s32 s22, s3  }
0x15: {  	[timem:s7], [sflag:s23] =	dma.local [hbm:s5], s21  }
0x16: {  	_ =	swait.ge [sflag:s23], s21  }
0x17: {  	s4 =	ssub.s32 $0x0, s21;
	[sflag:s23] =	ssyncset.done $0x0  }
0x18: {  	[sflag:s23] =	ssyncadd.s32 s4;
	_ =	sdelay $0x1  }
0x19: {  	s24 =	simm.s32 $0x1B8B  }
0x1a: {  	_ =	swait.ge [sflag:s24], $0x1  }
0x1b: {  	[sflag:s24] =	ssyncset.done $0x0  }
0x1c: {  	s26 =	simm.s32 $0x1B8E;
	s25 =	sld [smem:$0x3FFE];
	[sflag:s24] =	ssyncadd.s32 $0xFFFFFFFF  }
0x1d: {  	s27 =	simm.s32 $execute0_lowered;
	[smem:$0x3FD2] =	sst s26  }
0x1e: {  	s5 =	sshll.u32 s27, $0x1;
	_ =	strace $0x80000049;
	[dreg:$0x1] =	wrdreg $0xFFFFFFFF  }
0x1f: {  	s28 =	simm.s32 $_size_execute0_lowered;
	s3 =	sadd.s32 s3, s5;
	[dreg:$0x0] =	wrdreg $0x0  }
0x20: {  	s5 =	sshll.u32 s28, $0x1;
	[dreg:$0x2] =	wrdreg s3  }
0x21: {  	[dreg:$0x3] =	wrdreg s5  }
0x22: {  	[dreg:$0x4] =	wrdreg $0xC0  }
0x23: {  	_ =	task [dreg:s7], $0x5FFFF  }
0x24: {  	[dreg:$0x1] =	wrdreg $0xFFFFFFFF  }
0x25: {  	[dreg:$0x0] =	wrdreg $0x60  }
0x26: {  	[dreg:$0x2] =	wrdreg s25  }
0x27: {  	[dreg:$0x3] =	wrdreg s2  }
0x28: {  	[dreg:$0x4] =	wrdreg $0x9  }
0x29: {  	_ =	task.clear_ibuf [dreg:s7], $0x5FFFF;
	_ =	strace $0x90000049  }
0x2a: {  	s29 =	simm.s32 $0x9;
	_ =	strace $0x8000004B  }
0x2b: {  	_ =	swait.ge [sflag:s29], $0x1  }
0x2c: {  	[sflag:s29] =	ssyncadd.s32 $0xFFFFFFFF  }
0x2d: {  	_ =	strace $0x9000004B  }
0x2e: {  	_ =	sfence  }
0x2f: {  	s30 =	sld [smem:$0x0];
	_ =	sdelay $0x2  }
0x30: {  	s31 =	sshll.u32 s1, $0xD;
	s1 =	sshrl.u32 s1, $0x2  }
0x31: {  	s3 =	sand.u32 $0x4000, s31;
	s1 =	sadd.s32 s1, s30  }
0x32: {  	s0 =	sor.u32 s3, s0;
	s1 =	sshll.u32 s1, $0x11  }
0x33: {  	s0 =	sor.u32 s1, s0  }
0x34: {  	s0 =	sadd.s32 $0x8F2B, s0  }
0x35: {  	[sflag:s0] =	ssyncadd.remote.s32 $0x1  }
0x36: {  	_ =	sfence.sel $0xFFFF  }
0x37: {  	[dreg:$0x0] =	wrdreg $0xFFFFFFFF;
	(pc) =	sbr.abs _section_cstart, $3  }
0x38: {  	[dreg:$0x1] =	wrdreg $0xFFFFFFFF  }
0x39: {  	_ =	task.clear_ibuf [dreg:s7], $0x2FFFF;
	_ =	strace $0x9FFFFFFF  }
0x3a: {  	(tm) =	ssettm $0x7FFFFFFF  }
0x3b: {  	_ =	shalt  }
tec
execute0_lowered:
.L_overlay_start_1:
0x0: {  	(tag) =	ssettag $0x1  }
0x1: {  	s0 =	srdreg.scid  }
0x2: {  	s1 =	sshll.u32 s0, $0x4  }
0x3: {  	s0 =	stileid.u32;
	s1 =	sand.u32 $0x10, s1  }
0x4: {  	s1 =	sor.u32 s0, s1  }
0x5: {  	s6 =	rddreg [dreg:$0x0];
	s4 =	simm.s32 $0x1;
	s2 =	sshll.u32 s1, $0x7  }
0x6: {  	s7 =	simm.s32 $0x2;
	s12 =	simm.s32 $0x0;
	s1 =	ssub.s32 $0x1000, s2  }
0x7: {  	s8 =	simm.s32 $0x8000;
	s13 =	simm.s32 $0x0;
	s3 =	sand.u32 $0xF80, s1  }
0x8: {  	s9 =	simm.s32 $0x0;
	s5 =	sshrl.u32 s1, $0xC;
	p0 =	sne.s32 s3, $0x0  }
.Ltmp0:
0x9: {  	s1 =	rddreg [dreg:$0x2];
	s4 =	simm.s32 @!p0 $0x0;
	(pc) =	sbr.rel .LBB1_1-.Ltmp0, $4  }
0xa: {  	s11 =	simm.s32 $0x0;
	s3 =	rddreg [dreg:$0x1];
	s5 =	sadd.s32 s4, s5  }
0xb: {  	_ =	strace $0x8000004A;
	s4 =	simm.s32 $0x1;
	s5 =	smul.u32 $0x32, s5  }
0xc: {  	s6 =	sadd.s32 $0xA00, s6;
	s10 =	smov.u32 s2;
	[sflag:s4] =	ssyncpa.u1 $0x0  }
0xd: {  	p0 =	por $0x0, $0x0;
	[sflag:s7] =	ssyncpa.u1 $0x0;
	s7 =	sor.u32 $0x1, s5  }
.LBB1_4:
0xe: {  	s16 =	sshll.u32 s13, $0x3;
	s17 =	sand.u32 $0x78, s13  }
0xf: {  	s30 =	sand.u32 $0x7E00, s13;
	s12 =	sshll.u32 s12, $0xF;
	s16 =	sand.u32 $0xC00, s16  }
0x10: {  	[tilespmem:s15+$0x810 ss:$0x81] =	vst.msk $0xffff, v2;
	s31 =	sand.u32 $0x7, s13;
	s16 =	sor.u32 s17, s16;
	s17 =	sadd.s32 s3, s30  }
0x11: {  	[tilespmem:s15+$0x1020 ss:$0x81] =	vst.msk $0xffff, v0;
	s13 =	sshll.u32 s31, $0x12;
	s12 =	sadd.s32 s12, s17;
	s16 =	sshrl.u32 s16, $0x3  }
0x12: {  	[tilespmem:s15+$0x0 ss:$0x81] =	vst.msk $0xffff, v1;
	s13 =	sor.u32 $0x400, s13;
	s12 =	sadd.s32 s16, s12  }
0x13: {  	[hbm4b:s12+s13] =	stream.strided.scatter [tilespmem:s14], [sflag:$0x2], $0x2000, s8, s13, $0x20;
	[tilespmem:$0x8080] =	vst v63  }
.LBB1_5:
0x14: {  	s14 =	sadd.s32 $0x1, s9  }
0x15: {  	s12 =	sadd.s32 $0x1000, s10;
	s16 =	smov.u32 s10;
	p2 =	sgt.s32 s14, $0x31  }
0x16: {  	s16 =	smov.u32 @p2 s12  }
0x17: {  	s14 =	simm.s32 @p2 $0x0;
	p2 =	sgt.s32 s16, $0xFFF  }
0x18: {  	s16 =	smov.u32 @p2 s2;
	p2 =	sne.s32 s11, s7  }
.Ltmp1:
0x19: {  	p1 =	slt.u32 s11, $0x2;
	(pc) =	sbr.rel @!p2 .LBB1_6-.Ltmp1, $4  }
0x1a: {  	s15 =	simm.s32 @!p1 $0x2  }
0x1b: {  	s13 =	smov.u32 s10;
	p0 =	por !p0, !p0;
	_ =	swait.ge @!p1 [sflag:s15], $0x2000  }
0x1c: {  	s12 =	smov.u32 s9;
	[sflag:s15] =	ssyncset.done @!p1 $0x0;
	s9 =	smov.u32 s14  }
0x1d: {  	s11 =	sadd.s32 $0x1, s11;
	[sflag:s15] =	ssyncadd.s32 @!p1 $0xFFFFE000;
	s10 =	smov.u32 s16  }
.LBB1_1:
0x1e: {  	p1 =	sge.u32 s11, s5  }
0x1f: {  	s14 =	sand.u32 @!p1 $0x1FFFFFF, s9  }
0x20: {  	s15 =	smulhi.u32 @!p1 $0x4924925, s14;
	_ =	sdelay $0x1  }
0x21: {  	s15 =	smul.u32 @!p1 $0x38, s15  }
0x22: {  	s16 =	sxor.u32 @!p1 $0xFFFFFFFF, s11;
	s17 =	smul.u32 @!p1 $0x380, s10  }
0x23: {  	s31 =	sadd.s32 $0xFFFFFFFF, s11;
	s16 =	sshll.u32 @!p1 s16, $0xD;
	s14 =	ssub.s32 @!p1 s14, s15  }
0x24: {  	s15 =	sand.u32 @!p1 $0x2000, s16;
	s16 =	sadd.s32 @!p1 s6, s17;
	s14 =	sshll.u32 @!p1 s14, $0x4  }
0x25: {  	s17 =	simm.s32 @!p1 $0x1C00;
	s14 =	sadd.s32 @!p1 s14, s16;
	s16 =	simm.s32 @!p1 $0x40  }
0x26: {  	[tilespmem:s15], [sflag:$0x1] =	stream.strided.gather @!p1 [hbm4b:s14+s16], $0x2000, s17, s16, $0x38;
	[tilespmem:$0x8080] =	vst v63  }
0x27: {  	p1 =	sge.u32 s31, s5  }
.Ltmp2:
0x28: {  	_ = 	snop;
	(pc) =	sbr.rel @p1 .LBB1_5-.Ltmp2, $1  }
0x29: {  	_ =	sdelay $0x3  }
0x2a: {  	s14 =	simm.s32 $0x1  }
0x2b: {  	_ =	swait.ge [sflag:s4], $0x2000;
	s14 =	simm.s32 @!p0 $0x0  }
0x2c: {  	[sflag:s4] =	ssyncset.done $0x0;
	s15 =	sshll.u32 s14, $0xD  }
0x2d: {  	[sflag:s4] =	ssyncadd.s32 $0xFFFFE000;
	s18 =	sor.u32 $0x20, s15  }
0x2e: {  	s14 =	smul.u32 $0x8100, s14;
	v3 =	vld [tilespmem:s18+$0x10]  }
0x2f: {  	s30 =	sand.u32 $0x1, s11;
	v2 =	vld [tilespmem:s18+$0xFFFFFFF0]  }
0x30: {  	s15 =	smul.u32 $0x8100, s30;
	s14 =	sshrl.u32 s14, $0x2;
	v0 =	vld [tilespmem:s18+$0x0]  }
0x31: {  	v1 =	vld [tilespmem:s18+$0xFFFFFFE0];
	s16 =	sor.u32 $0x4000, s14  }
0x32: {  	s31 =	sshrl.u32 s15, $0x2;
	s15 =	sadd.s32 $0x0, s16  }
0x33: {  	s17 =	simm.s32 $0x4;
	s18 =	sadd.s32 $0x40, s18;
	s14 =	sor.u32 $0x4000, s31;
	[tilespmem:s15+$0x1830 ss:$0x81] =	vst.msk $0xffff, v3  }
.LBB1_3:
0x34: {  	v3 =	vld [tilespmem:s18+$0x10];
	p1 =	sne.s32 s17, $0x1FC;
	[tilespmem:s15+$0x810 ss:$0x81] =	vst.msk $0xffff, v2;
	s19 =	smov.u32 s17;
	s17 =	sadd.s32 $0x4, s17  }
.Ltmp3:
0x35: {  	v2 =	vld [tilespmem:s18+$0xFFFFFFF0];
	[tilespmem:s15+$0x1020 ss:$0x81] =	vst.msk $0xffff, v0;
	(pc) =	sbr.rel @p1 .LBB1_3-.Ltmp3, $4  }
0x36: {  	v0 =	vld [tilespmem:s18+$0x0];
	[tilespmem:s15+$0x0 ss:$0x81] =	vst.msk $0xffff, v1  }
0x37: {  	s15 =	sshra.s32 s19, $0x2;
	v1 =	vld [tilespmem:s18+$0xFFFFFFE0]  }
0x38: {  	s15 =	sadd.s32 s15, s16  }
0x39: {  	s18 =	sadd.s32 $0x40, s18;
	[tilespmem:s15+$0x1830 ss:$0x81] =	vst.msk $0xffff, v3  }
.Ltmp4:
0x3a: {  	_ = 	snop;
	(pc) =	sbr.rel .LBB1_4-.Ltmp4, $1  }
0x3b: {  	_ =	sdelay $0x3  }
.LBB1_6:
0x3c: {  	_ =	sfence.sel $0x180000  }
0x3d: {  	s2 =	simm.s32 $0x1;
	[bflag:$0x0] =	sbarrier.arrive $0xFFFF  }
0x3e: {  	s31 =	simm.s32 $0x2;
	[sflag:s2] =	ssyncpa.u1 $0x1  }
0x3f: {  	[sflag:s31] =	ssyncpa.u1 $0x1  }
0x40: {  	p0 =	sne.s32 s0, $0x0;
	_ =	strace $0x9000004A  }
0x41: {  	s0 =	sadd.s32 @!p0 $0x100000, s1;
	[bflag:$0x2] =	sbarrier.arrive $0xFFFF  }
0x42: {  	[sflag:s0] =	ssyncadd.tile.s32 @!p0 $0x1;
	_ =	shalt  }
.Lfunc_end1:
_tile_overlayer_lowered:
.L_overlay_start_2:
0x43: {  	(tag) =	ssettag $0x2  }
0x44: {  	s0 =	rddreg [dreg:$0x0];
	s2 =	stileid.u32  }
0x45: {  	s1 =	rddreg [dreg:$0x1];
	p0 =	sne.s32 s2, $0x0  }
0x46: {  	s3 =	rddreg [dreg:$0x2];
	[bflag:$0x3] =	sbarrier.arrive $0xFFFF;
	s2 =	simm.s32 @!p0 $0x1C01  }
0x47: {  	[timem:s3], [sflag:s2] =	dma.local @!p0 [hbm:s0], s1  }
0x48: {  	s0 =	simm.s32 @!p0 $0x1  }
0x49: {  	_ =	swait.ge @!p0 [sflag:s0], s1  }
0x4a: {  	s1 =	ssub.s32 @!p0 $0x0, s1;
	[sflag:s0] =	ssyncset.done @!p0 $0x0  }
0x4b: {  	[sflag:s0] =	ssyncadd.s32 @!p0 s1  }
0x4c: {  	[bflag:$0x3] =	sbarrier.arrive $0xFFFF  }
0x4d: {  	_ =	shalt  }

</sc_bundles>
